<compile_context>
chip_gen: v7x
topology: tpu7x:2x2x1
jax: 0.10.2.dev20260603
libtpu: 0.0.44.dev20260713+nightly
codegen_flags: <defaults>
</compile_context>

<pallas_src>
import functools

import jax
import jax.numpy as jnp
from jax import lax
from jax.experimental import pallas as pl
from jax.experimental.pallas import tpu as pltpu
from jax.experimental.pallas import tpu_sc as plsc

NUM_CORES = 2
NUM_SUBCORES = 16
NUM_WORKERS = NUM_CORES * NUM_SUBCORES


@jax.jit
def _sc_gather(ids_t, table):
    seq, bsz = ids_t.shape
    d = table.shape[1]
    bpw = bsz // NUM_WORKERS
    mesh = plsc.VectorSubcoreMesh(core_axis_name="c", subcore_axis_name="s")

    half = bpw // 2
    nsteps = 2 * seq
    nbuf = 10
    lead = 5
    assert nsteps % nbuf == 0

    @functools.partial(
        pl.kernel,
        out_type=jax.ShapeDtypeStruct((seq, bsz, d), table.dtype),
        mesh=mesh,
        compiler_params=pltpu.CompilerParams(use_tc_tiling_on_sc=True),
        scratch_types=[
            pltpu.VMEM((seq, bpw), jnp.int32),
            pltpu.VMEM((nbuf, half, d), table.dtype),
            [pltpu.SemaphoreType.DMA] * nbuf,
            [pltpu.SemaphoreType.DMA] * nbuf,
        ],
    )
    def body(ids_hbm, table_hbm, out_hbm, idx_v, rows_v, gsems, wsems):
        wid = lax.axis_index("s") * NUM_CORES + lax.axis_index("c")
        base = wid * bpw
        pltpu.sync_copy(ids_hbm.at[:, pl.ds(base, bpw)], idx_v)

        def gather(s, h, b):
            return pltpu.make_async_copy(
                table_hbm.at[idx_v.at[s // 2, pl.ds(h * half, half)]],
                rows_v.at[b],
                gsems[b],
            )

        def writeback(s, h, b):
            return pltpu.make_async_copy(
                rows_v.at[b],
                out_hbm.at[s // 2, pl.ds(base + h * half, half)],
                wsems[b],
            )

        for s in range(lead):
            gather(s, s % 2, s).start()

        def outer(i, carry):
            for b in range(nbuf):
                s = nbuf * i + b
                gather(s, b % 2, b).wait()
                writeback(s, b % 2, b).start()
                bn = (b + lead) % nbuf

                @pl.when(s + lead < nsteps)
                def _():
                    @pl.when(s - (nbuf - lead) >= 0)
                    def _():
                        writeback(s - (nbuf - lead), bn % 2, bn).wait()

                    gather(s + lead, bn % 2, bn).start()
            return carry

        lax.fori_loop(0, nsteps // nbuf, outer, 0)
        for s in range(nsteps - nbuf, nsteps):
            writeback(s, s % 2, s % nbuf).wait()

    return body(ids_t, table)


def kernel(token_ids, weight):
    ids_t = token_ids.astype(jnp.int32).T
    out_t = _sc_gather(ids_t, weight)
    return jnp.transpose(out_t, (1, 0, 2))

# --- scband reference (transcript-rebuilt; emitter-appended) ---
"""Pipeline reference for scband-embedding-1099511628365 (READ-ONLY COPY).

The authoritative reference and input builder live on the scoring server;
editing this copy changes nothing except your own understanding.
"""

import jax, jax.numpy as jnp
import numpy as np

NUM_EMBEDDINGS = 100000
EMBEDDING_DIM = 128

def setup_inputs(seed: int = 0) -> dict:
    key = jax.random.key(seed)
    k_idx, k_w = jax.random.split(key)
    token_ids = jax.random.randint(k_idx, (4096, 50), 0, NUM_EMBEDDINGS, dtype=jnp.int64 if jax.config.jax_enable_x64 else jnp.int32)
    # trunc_normal_(std=1.0, a=-3.0, b=-+3.0) approximated via truncated normal
    weight = jax.random.truncated_normal(k_w, -3.0, 3.0, (NUM_EMBEDDINGS, EMBEDDING_DIM), dtype=jnp.float32)
    return {"token_ids": token_ids, "weight": weight}

def reference(token_ids, weight):
    # weight[token_ids] -> gather rows of the embedding table
    return jnp.take(weight, token_ids, axis=0)

if __name__ == "__main__":
    import jax
    _d = setup_inputs()
    print(jax.jit(kernel)(*tuple(_d.values())))

</pallas_src>

<mosaic_0001>
#map = affine_map<(d0, d1) -> (0, 0)>
#map1 = affine_map<(d0, d1) -> (0, 0, 0)>
module attributes {stable_mosaic.version = 14 : i64} {
  func.func @body(%arg0: i32, %arg1: i32, %arg2: memref<50x4096xi32, #tpu.memory_space<hbm>>, %arg3: memref<100000x128xf32, #tpu.memory_space<hbm>>, %arg4: memref<50x4096x128xf32, #tpu.memory_space<hbm>>, %arg5: memref<50x128xi32, #tpu.memory_space<vmem>>, %arg6: memref<10x64x128xf32, #tpu.memory_space<vmem>>, %arg7: memref<!tpu.dma_semaphore, #tpu.memory_space<semaphore_mem>>, %arg8: memref<!tpu.dma_semaphore, #tpu.memory_space<semaphore_mem>>, %arg9: memref<!tpu.dma_semaphore, #tpu.memory_space<semaphore_mem>>, %arg10: memref<!tpu.dma_semaphore, #tpu.memory_space<semaphore_mem>>, %arg11: memref<!tpu.dma_semaphore, #tpu.memory_space<semaphore_mem>>, %arg12: memref<!tpu.dma_semaphore, #tpu.memory_space<semaphore_mem>>, %arg13: memref<!tpu.dma_semaphore, #tpu.memory_space<semaphore_mem>>, %arg14: memref<!tpu.dma_semaphore, #tpu.memory_space<semaphore_mem>>, %arg15: memref<!tpu.dma_semaphore, #tpu.memory_space<semaphore_mem>>, %arg16: memref<!tpu.dma_semaphore, #tpu.memory_space<semaphore_mem>>, %arg17: memref<!tpu.dma_semaphore, #tpu.memory_space<semaphore_mem>>, %arg18: memref<!tpu.dma_semaphore, #tpu.memory_space<semaphore_mem>>, %arg19: memref<!tpu.dma_semaphore, #tpu.memory_space<semaphore_mem>>, %arg20: memref<!tpu.dma_semaphore, #tpu.memory_space<semaphore_mem>>, %arg21: memref<!tpu.dma_semaphore, #tpu.memory_space<semaphore_mem>>, %arg22: memref<!tpu.dma_semaphore, #tpu.memory_space<semaphore_mem>>, %arg23: memref<!tpu.dma_semaphore, #tpu.memory_space<semaphore_mem>>, %arg24: memref<!tpu.dma_semaphore, #tpu.memory_space<semaphore_mem>>, %arg25: memref<!tpu.dma_semaphore, #tpu.memory_space<semaphore_mem>>, %arg26: memref<!tpu.dma_semaphore, #tpu.memory_space<semaphore_mem>>) attributes {dimension_semantics = [#tpu.dimension_semantics<core_parallel>, #tpu.dimension_semantics<subcore_parallel>], iteration_bounds = array<i64: 2, 16>, scalar_prefetch = 0 : i64, scratch_operands = 22 : i64, tpu.core_type = #tpu.core_type<sc_vector_subcore>, window_params = [{transform_indices = #map}, {transform_indices = #map}, {transform_indices = #map1}]} {
    %mul3A = arith.constant 2 : i32
    %mul3A_0 = arith.muli %arg1, %mul3A : i32
    %add3A = arith.addi %mul3A_0, %arg0 : i32
    %mul3A_1 = arith.constant 128 : i32
    %mul3A_2 = arith.muli %add3A, %mul3A_1 : i32
    "tpu.region"() ({
      %run_scoped3A = tpu.sem_alloc : memref<!tpu.dma_semaphore, #tpu.memory_space<semaphore_mem>>
      %dma_start3A_246 = arith.constant 0 : i32
      %dma_start3A_247 = tpu.memref_slice %arg2[%dma_start3A_246, %mul3A_2] : memref<50x4096xi32, #tpu.memory_space<hbm>> -> memref<50x128xi32, #tpu.memory_space<hbm>>
      %dma_start3A_248 = arith.constant 0 : i32
      %dma_start3A_249 = tpu.memref_slice %arg2[%dma_start3A_248, %mul3A_2] : memref<50x4096xi32, #tpu.memory_space<hbm>> -> memref<50x128xi32, #tpu.memory_space<hbm>>
      tpu.enqueue_dma source(%dma_start3A_249 : memref<50x128xi32, #tpu.memory_space<hbm>>) target(%arg5 : memref<50x128xi32, #tpu.memory_space<vmem>>) target_semaphore(%run_scoped3A : memref<!tpu.dma_semaphore, #tpu.memory_space<semaphore_mem>>)
      %dma_wait3A_250 = arith.constant 0 : i32
      %dma_wait3A_251 = tpu.memref_slice %arg2[%dma_wait3A_250, %mul3A_2] : memref<50x4096xi32, #tpu.memory_space<hbm>> -> memref<50x128xi32, #tpu.memory_space<hbm>>
      %dma_wait3A_252 = arith.constant 0 : i32
      %dma_wait3A_253 = tpu.memref_slice %arg2[%dma_wait3A_252, %mul3A_2] : memref<50x4096xi32, #tpu.memory_space<hbm>> -> memref<50x128xi32, #tpu.memory_space<hbm>>
      tpu.wait_dma2 semaphore(%run_scoped3A : memref<!tpu.dma_semaphore, #tpu.memory_space<semaphore_mem>>) src(%dma_wait3A_253 : memref<50x128xi32, #tpu.memory_space<hbm>>) dst(%arg5 : memref<50x128xi32, #tpu.memory_space<vmem>>)
      tpu.yield
    }) : () -> ()
    %dma_start3A = arith.constant 0 : i32
    %dma_start3A_3 = arith.constant 0 : i32
    %dma_start3A_4 = arith.constant 0 : i32
    %dma_start3A_5 = arith.constant 0 : i32
    %dma_start3A_6 = tpu.memref_slice %arg6[%dma_start3A_3, %dma_start3A_4, %dma_start3A_5] : memref<10x64x128xf32, #tpu.memory_space<vmem>> -> memref<1x64x128xf32, #tpu.memory_space<vmem>>
    %dma_start3A_7 = tpu.memref_squeeze %dma_start3A_6 : memref<1x64x128xf32, #tpu.memory_space<vmem>> -> memref<64x128xf32, #tpu.memory_space<vmem>>
    %dma_start3A_8 = arith.constant 0 : i32
    %dma_start3A_9 = tpu.memref_slice %arg5[%dma_start3A, %dma_start3A_8] : memref<50x128xi32, #tpu.memory_space<vmem>> -> memref<1x64xi32, #tpu.memory_space<vmem>>
    %dma_start3A_10 = tpu.memref_squeeze %dma_start3A_9 : memref<1x64xi32, #tpu.memory_space<vmem>> -> memref<64xi32, #tpu.memory_space<vmem>>
    %dma_start3A_11 = arith.constant 0 : i32
    %dma_start3A_12 = arith.constant 0 : i32
    %dma_start3A_13 = tpu.memref_slice %arg3[%dma_start3A_11, %dma_start3A_12] : memref<100000x128xf32, #tpu.memory_space<hbm>> -> memref<100000x128xf32, #tpu.memory_space<hbm>>
    tpu.enqueue_indirect_dma source(%dma_start3A_13 : memref<100000x128xf32, #tpu.memory_space<hbm>>) target(%dma_start3A_7 : memref<64x128xf32, #tpu.memory_space<vmem>>) offsets(%dma_start3A_10 : memref<64xi32, #tpu.memory_space<vmem>>) semaphore(%arg7 : memref<!tpu.dma_semaphore, #tpu.memory_space<semaphore_mem>>)
    %dma_start3A_14 = arith.constant 0 : i32
    %dma_start3A_15 = arith.constant 1 : i32
    %dma_start3A_16 = arith.constant 0 : i32
    %dma_start3A_17 = arith.constant 0 : i32
    %dma_start3A_18 = tpu.memref_slice %arg6[%dma_start3A_15, %dma_start3A_16, %dma_start3A_17] : memref<10x64x128xf32, #tpu.memory_space<vmem>> -> memref<1x64x128xf32, #tpu.memory_space<vmem>>
    %dma_start3A_19 = tpu.memref_squeeze %dma_start3A_18 : memref<1x64x128xf32, #tpu.memory_space<vmem>> -> memref<64x128xf32, #tpu.memory_space<vmem>>
    %dma_start3A_20 = arith.constant 64 : i32
    %dma_start3A_21 = tpu.memref_slice %arg5[%dma_start3A_14, %dma_start3A_20] : memref<50x128xi32, #tpu.memory_space<vmem>> -> memref<1x64xi32, #tpu.memory_space<vmem>>
    %dma_start3A_22 = tpu.memref_squeeze %dma_start3A_21 : memref<1x64xi32, #tpu.memory_space<vmem>> -> memref<64xi32, #tpu.memory_space<vmem>>
    %dma_start3A_23 = arith.constant 0 : i32
    %dma_start3A_24 = arith.constant 0 : i32
    %dma_start3A_25 = tpu.memref_slice %arg3[%dma_start3A_23, %dma_start3A_24] : memref<100000x128xf32, #tpu.memory_space<hbm>> -> memref<100000x128xf32, #tpu.memory_space<hbm>>
    tpu.enqueue_indirect_dma source(%dma_start3A_25 : memref<100000x128xf32, #tpu.memory_space<hbm>>) target(%dma_start3A_19 : memref<64x128xf32, #tpu.memory_space<vmem>>) offsets(%dma_start3A_22 : memref<64xi32, #tpu.memory_space<vmem>>) semaphore(%arg8 : memref<!tpu.dma_semaphore, #tpu.memory_space<semaphore_mem>>)
    %dma_start3A_26 = arith.constant 1 : i32
    %dma_start3A_27 = arith.constant 2 : i32
    %dma_start3A_28 = arith.constant 0 : i32
    %dma_start3A_29 = arith.constant 0 : i32
    %dma_start3A_30 = tpu.memref_slice %arg6[%dma_start3A_27, %dma_start3A_28, %dma_start3A_29] : memref<10x64x128xf32, #tpu.memory_space<vmem>> -> memref<1x64x128xf32, #tpu.memory_space<vmem>>
    %dma_start3A_31 = tpu.memref_squeeze %dma_start3A_30 : memref<1x64x128xf32, #tpu.memory_space<vmem>> -> memref<64x128xf32, #tpu.memory_space<vmem>>
    %dma_start3A_32 = arith.constant 0 : i32
    %dma_start3A_33 = tpu.memref_slice %arg5[%dma_start3A_26, %dma_start3A_32] : memref<50x128xi32, #tpu.memory_space<vmem>> -> memref<1x64xi32, #tpu.memory_space<vmem>>
    %dma_start3A_34 = tpu.memref_squeeze %dma_start3A_33 : memref<1x64xi32, #tpu.memory_space<vmem>> -> memref<64xi32, #tpu.memory_space<vmem>>
    %dma_start3A_35 = arith.constant 0 : i32
    %dma_start3A_36 = arith.constant 0 : i32
    %dma_start3A_37 = tpu.memref_slice %arg3[%dma_start3A_35, %dma_start3A_36] : memref<100000x128xf32, #tpu.memory_space<hbm>> -> memref<100000x128xf32, #tpu.memory_space<hbm>>
    tpu.enqueue_indirect_dma source(%dma_start3A_37 : memref<100000x128xf32, #tpu.memory_space<hbm>>) target(%dma_start3A_31 : memref<64x128xf32, #tpu.memory_space<vmem>>) offsets(%dma_start3A_34 : memref<64xi32, #tpu.memory_space<vmem>>) semaphore(%arg9 : memref<!tpu.dma_semaphore, #tpu.memory_space<semaphore_mem>>)
    %dma_start3A_38 = arith.constant 1 : i32
    %dma_start3A_39 = arith.constant 3 : i32
    %dma_start3A_40 = arith.constant 0 : i32
    %dma_start3A_41 = arith.constant 0 : i32
    %dma_start3A_42 = tpu.memref_slice %arg6[%dma_start3A_39, %dma_start3A_40, %dma_start3A_41] : memref<10x64x128xf32, #tpu.memory_space<vmem>> -> memref<1x64x128xf32, #tpu.memory_space<vmem>>
    %dma_start3A_43 = tpu.memref_squeeze %dma_start3A_42 : memref<1x64x128xf32, #tpu.memory_space<vmem>> -> memref<64x128xf32, #tpu.memory_space<vmem>>
    %dma_start3A_44 = arith.constant 64 : i32
    %dma_start3A_45 = tpu.memref_slice %arg5[%dma_start3A_38, %dma_start3A_44] : memref<50x128xi32, #tpu.memory_space<vmem>> -> memref<1x64xi32, #tpu.memory_space<vmem>>
    %dma_start3A_46 = tpu.memref_squeeze %dma_start3A_45 : memref<1x64xi32, #tpu.memory_space<vmem>> -> memref<64xi32, #tpu.memory_space<vmem>>
    %dma_start3A_47 = arith.constant 0 : i32
    %dma_start3A_48 = arith.constant 0 : i32
    %dma_start3A_49 = tpu.memref_slice %arg3[%dma_start3A_47, %dma_start3A_48] : memref<100000x128xf32, #tpu.memory_space<hbm>> -> memref<100000x128xf32, #tpu.memory_space<hbm>>
    tpu.enqueue_indirect_dma source(%dma_start3A_49 : memref<100000x128xf32, #tpu.memory_space<hbm>>) target(%dma_start3A_43 : memref<64x128xf32, #tpu.memory_space<vmem>>) offsets(%dma_start3A_46 : memref<64xi32, #tpu.memory_space<vmem>>) semaphore(%arg10 : memref<!tpu.dma_semaphore, #tpu.memory_space<semaphore_mem>>)
    %dma_start3A_50 = arith.constant 2 : i32
    %dma_start3A_51 = arith.constant 4 : i32
    %dma_start3A_52 = arith.constant 0 : i32
    %dma_start3A_53 = arith.constant 0 : i32
    %dma_start3A_54 = tpu.memref_slice %arg6[%dma_start3A_51, %dma_start3A_52, %dma_start3A_53] : memref<10x64x128xf32, #tpu.memory_space<vmem>> -> memref<1x64x128xf32, #tpu.memory_space<vmem>>
    %dma_start3A_55 = tpu.memref_squeeze %dma_start3A_54 : memref<1x64x128xf32, #tpu.memory_space<vmem>> -> memref<64x128xf32, #tpu.memory_space<vmem>>
    %dma_start3A_56 = arith.constant 0 : i32
    %dma_start3A_57 = tpu.memref_slice %arg5[%dma_start3A_50, %dma_start3A_56] : memref<50x128xi32, #tpu.memory_space<vmem>> -> memref<1x64xi32, #tpu.memory_space<vmem>>
    %dma_start3A_58 = tpu.memref_squeeze %dma_start3A_57 : memref<1x64xi32, #tpu.memory_space<vmem>> -> memref<64xi32, #tpu.memory_space<vmem>>
    %dma_start3A_59 = arith.constant 0 : i32
    %dma_start3A_60 = arith.constant 0 : i32
    %dma_start3A_61 = tpu.memref_slice %arg3[%dma_start3A_59, %dma_start3A_60] : memref<100000x128xf32, #tpu.memory_space<hbm>> -> memref<100000x128xf32, #tpu.memory_space<hbm>>
    tpu.enqueue_indirect_dma source(%dma_start3A_61 : memref<100000x128xf32, #tpu.memory_space<hbm>>) target(%dma_start3A_55 : memref<64x128xf32, #tpu.memory_space<vmem>>) offsets(%dma_start3A_58 : memref<64xi32, #tpu.memory_space<vmem>>) semaphore(%arg11 : memref<!tpu.dma_semaphore, #tpu.memory_space<semaphore_mem>>)
    %scan3A = arith.constant 0 : i32
    %scan3A_62 = arith.constant 0 : i32
    %scan3A_63 = arith.constant 10 : i32
    %scan3A_64 = arith.addi %scan3A_62, %scan3A_63 : i32
    %scan3A_65 = arith.constant 1 : i32
    scf.for %scan3A_246 = %scan3A_62 to %scan3A_64 step %scan3A_65  : i32 {
      %mul3A_247 = arith.constant 10 : i32
      %mul3A_248 = arith.muli %mul3A_247, %scan3A_246 : i32
      %add3A_249 = arith.constant 0 : i32
      %add3A_250 = arith.addi %mul3A_248, %add3A_249 : i32
      %jit3A = arith.constant 2 : i32
      %div3A = arith.divsi %add3A_250, %jit3A : i32
      %sign3A = arith.constant 0 : i32
      %sign3A_251 = arith.cmpi sgt, %add3A_250, %sign3A : i32
      %sign3A_252 = arith.extui %sign3A_251 : i1 to i32
      %sign3A_253 = arith.constant 0 : i32
      %sign3A_254 = arith.cmpi slt, %add3A_250, %sign3A_253 : i32
      %sign3A_255 = arith.extui %sign3A_254 : i1 to i32
      %sign3A_256 = arith.subi %sign3A_252, %sign3A_255 : i32
      %sign3A_257 = arith.constant 0 : i32
      %sign3A_258 = arith.cmpi sgt, %jit3A, %sign3A_257 : i32
      %sign3A_259 = arith.extui %sign3A_258 : i1 to i32
      %sign3A_260 = arith.constant 0 : i32
      %sign3A_261 = arith.cmpi slt, %jit3A, %sign3A_260 : i32
      %sign3A_262 = arith.extui %sign3A_261 : i1 to i32
      %sign3A_263 = arith.subi %sign3A_259, %sign3A_262 : i32
      %ne3A = arith.cmpi ne, %sign3A_256, %sign3A_263 : i32
      %rem3A = arith.remsi %add3A_250, %jit3A : i32
      %ne3A_264 = arith.constant 0 : i32
      %ne3A_265 = arith.cmpi ne, %rem3A, %ne3A_264 : i32
      %and3A = arith.andi %ne3A, %ne3A_265 : i1
      %sub3A = arith.constant 1 : i32
      %sub3A_266 = arith.subi %div3A, %sub3A : i32
      %select_n3A = arith.select %and3A, %sub3A_266, %div3A : i32
      %dma_wait3A_267 = arith.constant 0 : i32
      %dma_wait3A_268 = arith.constant 0 : i32
      %dma_wait3A_269 = arith.constant 0 : i32
      %dma_wait3A_270 = tpu.memref_slice %arg6[%dma_wait3A_267, %dma_wait3A_268, %dma_wait3A_269] : memref<10x64x128xf32, #tpu.memory_space<vmem>> -> memref<1x64x128xf32, #tpu.memory_space<vmem>>
      %dma_wait3A_271 = tpu.memref_squeeze %dma_wait3A_270 : memref<1x64x128xf32, #tpu.memory_space<vmem>> -> memref<64x128xf32, #tpu.memory_space<vmem>>
      %dma_wait3A_272 = arith.constant 0 : i32
      %dma_wait3A_273 = tpu.memref_slice %arg5[%select_n3A, %dma_wait3A_272] : memref<50x128xi32, #tpu.memory_space<vmem>> -> memref<1x64xi32, #tpu.memory_space<vmem>>
      %dma_wait3A_274 = tpu.memref_squeeze %dma_wait3A_273 : memref<1x64xi32, #tpu.memory_space<vmem>> -> memref<64xi32, #tpu.memory_space<vmem>>
      %dma_wait3A_275 = arith.constant 0 : i32
      %dma_wait3A_276 = arith.constant 0 : i32
      %dma_wait3A_277 = tpu.memref_slice %arg3[%dma_wait3A_275, %dma_wait3A_276] : memref<100000x128xf32, #tpu.memory_space<hbm>> -> memref<100000x128xf32, #tpu.memory_space<hbm>>
      tpu.wait_indirect_dma semaphore(%arg7 : memref<!tpu.dma_semaphore, #tpu.memory_space<semaphore_mem>>) src(%dma_wait3A_277 : memref<100000x128xf32, #tpu.memory_space<hbm>>) dst(%dma_wait3A_271 : memref<64x128xf32, #tpu.memory_space<vmem>>)
      %jit3A_278 = arith.constant 2 : i32
      %div3A_279 = arith.divsi %add3A_250, %jit3A_278 : i32
      %sign3A_280 = arith.constant 0 : i32
      %sign3A_281 = arith.cmpi sgt, %add3A_250, %sign3A_280 : i32
      %sign3A_282 = arith.extui %sign3A_281 : i1 to i32
      %sign3A_283 = arith.constant 0 : i32
      %sign3A_284 = arith.cmpi slt, %add3A_250, %sign3A_283 : i32
      %sign3A_285 = arith.extui %sign3A_284 : i1 to i32
      %sign3A_286 = arith.subi %sign3A_282, %sign3A_285 : i32
      %sign3A_287 = arith.constant 0 : i32
      %sign3A_288 = arith.cmpi sgt, %jit3A_278, %sign3A_287 : i32
      %sign3A_289 = arith.extui %sign3A_288 : i1 to i32
      %sign3A_290 = arith.constant 0 : i32
      %sign3A_291 = arith.cmpi slt, %jit3A_278, %sign3A_290 : i32
      %sign3A_292 = arith.extui %sign3A_291 : i1 to i32
      %sign3A_293 = arith.subi %sign3A_289, %sign3A_292 : i32
      %ne3A_294 = arith.cmpi ne, %sign3A_286, %sign3A_293 : i32
      %rem3A_295 = arith.remsi %add3A_250, %jit3A_278 : i32
      %ne3A_296 = arith.constant 0 : i32
      %ne3A_297 = arith.cmpi ne, %rem3A_295, %ne3A_296 : i32
      %and3A_298 = arith.andi %ne3A_294, %ne3A_297 : i1
      %sub3A_299 = arith.constant 1 : i32
      %sub3A_300 = arith.subi %div3A_279, %sub3A_299 : i32
      %select_n3A_301 = arith.select %and3A_298, %sub3A_300, %div3A_279 : i32
      %add3A_302 = arith.constant 0 : i32
      %add3A_303 = arith.addi %mul3A_2, %add3A_302 : i32
      %dma_start3A_304 = arith.constant 0 : i32
      %dma_start3A_305 = arith.constant 0 : i32
      %dma_start3A_306 = arith.constant 0 : i32
      %dma_start3A_307 = tpu.memref_slice %arg6[%dma_start3A_304, %dma_start3A_305, %dma_start3A_306] : memref<10x64x128xf32, #tpu.memory_space<vmem>> -> memref<1x64x128xf32, #tpu.memory_space<vmem>>
      %dma_start3A_308 = tpu.memref_squeeze %dma_start3A_307 : memref<1x64x128xf32, #tpu.memory_space<vmem>> -> memref<64x128xf32, #tpu.memory_space<vmem>>
      %dma_start3A_309 = arith.constant 0 : i32
      %dma_start3A_310 = tpu.memref_slice %arg4[%select_n3A_301, %add3A_303, %dma_start3A_309] : memref<50x4096x128xf32, #tpu.memory_space<hbm>> -> memref<1x64x128xf32, #tpu.memory_space<hbm>>
      %dma_start3A_311 = tpu.memref_squeeze %dma_start3A_310 : memref<1x64x128xf32, #tpu.memory_space<hbm>> -> memref<64x128xf32, #tpu.memory_space<hbm>>
      %dma_start3A_312 = arith.constant 0 : i32
      %dma_start3A_313 = tpu.memref_slice %arg4[%select_n3A_301, %add3A_303, %dma_start3A_312] : memref<50x4096x128xf32, #tpu.memory_space<hbm>> -> memref<1x64x128xf32, #tpu.memory_space<hbm>>
      %dma_start3A_314 = tpu.memref_squeeze %dma_start3A_313 : memref<1x64x128xf32, #tpu.memory_space<hbm>> -> memref<64x128xf32, #tpu.memory_space<hbm>>
      %dma_start3A_315 = arith.constant 0 : i32
      %dma_start3A_316 = arith.constant 0 : i32
      %dma_start3A_317 = tpu.memref_slice %arg6[%dma_start3A_304, %dma_start3A_315, %dma_start3A_316] : memref<10x64x128xf32, #tpu.memory_space<vmem>> -> memref<1x64x128xf32, #tpu.memory_space<vmem>>
      %dma_start3A_318 = tpu.memref_squeeze %dma_start3A_317 : memref<1x64x128xf32, #tpu.memory_space<vmem>> -> memref<64x128xf32, #tpu.memory_space<vmem>>
      tpu.enqueue_dma source(%dma_start3A_318 : memref<64x128xf32, #tpu.memory_space<vmem>>) target(%dma_start3A_314 : memref<64x128xf32, #tpu.memory_space<hbm>>) target_semaphore(%arg17 : memref<!tpu.dma_semaphore, #tpu.memory_space<semaphore_mem>>)
      %add3A_319 = arith.constant 5 : i32
      %add3A_320 = arith.addi %add3A_250, %add3A_319 : i32
      %lt3A = arith.constant 100 : i32
      %lt3A_321 = arith.cmpi slt, %add3A_320, %lt3A : i32
      %convert_element_type3A = arith.extui %lt3A_321 : i1 to i32
      %cond3A = arith.constant 0 : i32
      %cond3A_322 = arith.cmpi ne, %convert_element_type3A, %cond3A : i32
      scf.if %cond3A_322 {
        %sub3A_1106 = arith.constant 5 : i32
        %sub3A_1107 = arith.subi %add3A_250, %sub3A_1106 : i32
        %ge3A = arith.constant 0 : i32
        %ge3A_1108 = arith.cmpi sge, %sub3A_1107, %ge3A : i32
        %convert_element_type3A_1109 = arith.extui %ge3A_1108 : i1 to i32
        %cond3A_1110 = arith.constant 0 : i32
        %cond3A_1111 = arith.cmpi ne, %convert_element_type3A_1109, %cond3A_1110 : i32
        scf.if %cond3A_1111 {
          %sub3A_1149 = arith.constant 5 : i32
          %sub3A_1150 = arith.subi %add3A_250, %sub3A_1149 : i32
          %jit3A_1151 = arith.constant 2 : i32
          %div3A_1152 = arith.divsi %sub3A_1150, %jit3A_1151 : i32
          %sign3A_1153 = arith.constant 0 : i32
          %sign3A_1154 = arith.cmpi sgt, %sub3A_1150, %sign3A_1153 : i32
          %sign3A_1155 = arith.extui %sign3A_1154 : i1 to i32
          %sign3A_1156 = arith.constant 0 : i32
          %sign3A_1157 = arith.cmpi slt, %sub3A_1150, %sign3A_1156 : i32
          %sign3A_1158 = arith.extui %sign3A_1157 : i1 to i32
          %sign3A_1159 = arith.subi %sign3A_1155, %sign3A_1158 : i32
          %sign3A_1160 = arith.constant 0 : i32
          %sign3A_1161 = arith.cmpi sgt, %jit3A_1151, %sign3A_1160 : i32
          %sign3A_1162 = arith.extui %sign3A_1161 : i1 to i32
          %sign3A_1163 = arith.constant 0 : i32
          %sign3A_1164 = arith.cmpi slt, %jit3A_1151, %sign3A_1163 : i32
          %sign3A_1165 = arith.extui %sign3A_1164 : i1 to i32
          %sign3A_1166 = arith.subi %sign3A_1162, %sign3A_1165 : i32
          %ne3A_1167 = arith.cmpi ne, %sign3A_1159, %sign3A_1166 : i32
          %rem3A_1168 = arith.remsi %sub3A_1150, %jit3A_1151 : i32
          %ne3A_1169 = arith.constant 0 : i32
          %ne3A_1170 = arith.cmpi ne, %rem3A_1168, %ne3A_1169 : i32
          %and3A_1171 = arith.andi %ne3A_1167, %ne3A_1170 : i1
          %sub3A_1172 = arith.constant 1 : i32
          %sub3A_1173 = arith.subi %div3A_1152, %sub3A_1172 : i32
          %select_n3A_1174 = arith.select %and3A_1171, %sub3A_1173, %div3A_1152 : i32
          %add3A_1175 = arith.constant 64 : i32
          %add3A_1176 = arith.addi %mul3A_2, %add3A_1175 : i32
          %dma_wait3A_1177 = arith.constant 5 : i32
          %dma_wait3A_1178 = arith.constant 0 : i32
          %dma_wait3A_1179 = arith.constant 0 : i32
          %dma_wait3A_1180 = tpu.memref_slice %arg6[%dma_wait3A_1177, %dma_wait3A_1178, %dma_wait3A_1179] : memref<10x64x128xf32, #tpu.memory_space<vmem>> -> memref<1x64x128xf32, #tpu.memory_space<vmem>>
          %dma_wait3A_1181 = tpu.memref_squeeze %dma_wait3A_1180 : memref<1x64x128xf32, #tpu.memory_space<vmem>> -> memref<64x128xf32, #tpu.memory_space<vmem>>
          %dma_wait3A_1182 = arith.constant 0 : i32
          %dma_wait3A_1183 = tpu.memref_slice %arg4[%select_n3A_1174, %add3A_1176, %dma_wait3A_1182] : memref<50x4096x128xf32, #tpu.memory_space<hbm>> -> memref<1x64x128xf32, #tpu.memory_space<hbm>>
          %dma_wait3A_1184 = tpu.memref_squeeze %dma_wait3A_1183 : memref<1x64x128xf32, #tpu.memory_space<hbm>> -> memref<64x128xf32, #tpu.memory_space<hbm>>
          %dma_wait3A_1185 = arith.constant 0 : i32
          %dma_wait3A_1186 = tpu.memref_slice %arg4[%select_n3A_1174, %add3A_1176, %dma_wait3A_1185] : memref<50x4096x128xf32, #tpu.memory_space<hbm>> -> memref<1x64x128xf32, #tpu.memory_space<hbm>>
          %dma_wait3A_1187 = tpu.memref_squeeze %dma_wait3A_1186 : memref<1x64x128xf32, #tpu.memory_space<hbm>> -> memref<64x128xf32, #tpu.memory_space<hbm>>
          %dma_wait3A_1188 = arith.constant 0 : i32
          %dma_wait3A_1189 = arith.constant 0 : i32
          %dma_wait3A_1190 = tpu.memref_slice %arg6[%dma_wait3A_1177, %dma_wait3A_1188, %dma_wait3A_1189] : memref<10x64x128xf32, #tpu.memory_space<vmem>> -> memref<1x64x128xf32, #tpu.memory_space<vmem>>
          %dma_wait3A_1191 = tpu.memref_squeeze %dma_wait3A_1190 : memref<1x64x128xf32, #tpu.memory_space<vmem>> -> memref<64x128xf32, #tpu.memory_space<vmem>>
          tpu.wait_dma2 semaphore(%arg22 : memref<!tpu.dma_semaphore, #tpu.memory_space<semaphore_mem>>) src(%dma_wait3A_1191 : memref<64x128xf32, #tpu.memory_space<vmem>>) dst(%dma_wait3A_1187 : memref<64x128xf32, #tpu.memory_space<hbm>>)
        } else {
        }
        %add3A_1112 = arith.constant 5 : i32
        %add3A_1113 = arith.addi %add3A_250, %add3A_1112 : i32
        %jit3A_1114 = arith.constant 2 : i32
        %div3A_1115 = arith.divsi %add3A_1113, %jit3A_1114 : i32
        %sign3A_1116 = arith.constant 0 : i32
        %sign3A_1117 = arith.cmpi sgt, %add3A_1113, %sign3A_1116 : i32
        %sign3A_1118 = arith.extui %sign3A_1117 : i1 to i32
        %sign3A_1119 = arith.constant 0 : i32
        %sign3A_1120 = arith.cmpi slt, %add3A_1113, %sign3A_1119 : i32
        %sign3A_1121 = arith.extui %sign3A_1120 : i1 to i32
        %sign3A_1122 = arith.subi %sign3A_1118, %sign3A_1121 : i32
        %sign3A_1123 = arith.constant 0 : i32
        %sign3A_1124 = arith.cmpi sgt, %jit3A_1114, %sign3A_1123 : i32
        %sign3A_1125 = arith.extui %sign3A_1124 : i1 to i32
        %sign3A_1126 = arith.constant 0 : i32
        %sign3A_1127 = arith.cmpi slt, %jit3A_1114, %sign3A_1126 : i32
        %sign3A_1128 = arith.extui %sign3A_1127 : i1 to i32
        %sign3A_1129 = arith.subi %sign3A_1125, %sign3A_1128 : i32
        %ne3A_1130 = arith.cmpi ne, %sign3A_1122, %sign3A_1129 : i32
        %rem3A_1131 = arith.remsi %add3A_1113, %jit3A_1114 : i32
        %ne3A_1132 = arith.constant 0 : i32
        %ne3A_1133 = arith.cmpi ne, %rem3A_1131, %ne3A_1132 : i32
        %and3A_1134 = arith.andi %ne3A_1130, %ne3A_1133 : i1
        %sub3A_1135 = arith.constant 1 : i32
        %sub3A_1136 = arith.subi %div3A_1115, %sub3A_1135 : i32
        %select_n3A_1137 = arith.select %and3A_1134, %sub3A_1136, %div3A_1115 : i32
        %dma_start3A_1138 = arith.constant 5 : i32
        %dma_start3A_1139 = arith.constant 0 : i32
        %dma_start3A_1140 = arith.constant 0 : i32
        %dma_start3A_1141 = tpu.memref_slice %arg6[%dma_start3A_1138, %dma_start3A_1139, %dma_start3A_1140] : memref<10x64x128xf32, #tpu.memory_space<vmem>> -> memref<1x64x128xf32, #tpu.memory_space<vmem>>
        %dma_start3A_1142 = tpu.memref_squeeze %dma_start3A_1141 : memref<1x64x128xf32, #tpu.memory_space<vmem>> -> memref<64x128xf32, #tpu.memory_space<vmem>>
        %dma_start3A_1143 = arith.constant 64 : i32
        %dma_start3A_1144 = tpu.memref_slice %arg5[%select_n3A_1137, %dma_start3A_1143] : memref<50x128xi32, #tpu.memory_space<vmem>> -> memref<1x64xi32, #tpu.memory_space<vmem>>
        %dma_start3A_1145 = tpu.memref_squeeze %dma_start3A_1144 : memref<1x64xi32, #tpu.memory_space<vmem>> -> memref<64xi32, #tpu.memory_space<vmem>>
        %dma_start3A_1146 = arith.constant 0 : i32
        %dma_start3A_1147 = arith.constant 0 : i32
        %dma_start3A_1148 = tpu.memref_slice %arg3[%dma_start3A_1146, %dma_start3A_1147] : memref<100000x128xf32, #tpu.memory_space<hbm>> -> memref<100000x128xf32, #tpu.memory_space<hbm>>
        tpu.enqueue_indirect_dma source(%dma_start3A_1148 : memref<100000x128xf32, #tpu.memory_space<hbm>>) target(%dma_start3A_1142 : memref<64x128xf32, #tpu.memory_space<vmem>>) offsets(%dma_start3A_1145 : memref<64xi32, #tpu.memory_space<vmem>>) semaphore(%arg12 : memref<!tpu.dma_semaphore, #tpu.memory_space<semaphore_mem>>)
      } else {
      }
      %mul3A_323 = arith.constant 10 : i32
      %mul3A_324 = arith.muli %mul3A_323, %scan3A_246 : i32
      %add3A_325 = arith.constant 1 : i32
      %add3A_326 = arith.addi %mul3A_324, %add3A_325 : i32
      %jit3A_327 = arith.constant 2 : i32
      %div3A_328 = arith.divsi %add3A_326, %jit3A_327 : i32
      %sign3A_329 = arith.constant 0 : i32
      %sign3A_330 = arith.cmpi sgt, %add3A_326, %sign3A_329 : i32
      %sign3A_331 = arith.extui %sign3A_330 : i1 to i32
      %sign3A_332 = arith.constant 0 : i32
      %sign3A_333 = arith.cmpi slt, %add3A_326, %sign3A_332 : i32
      %sign3A_334 = arith.extui %sign3A_333 : i1 to i32
      %sign3A_335 = arith.subi %sign3A_331, %sign3A_334 : i32
      %sign3A_336 = arith.constant 0 : i32
      %sign3A_337 = arith.cmpi sgt, %jit3A_327, %sign3A_336 : i32
      %sign3A_338 = arith.extui %sign3A_337 : i1 to i32
      %sign3A_339 = arith.constant 0 : i32
      %sign3A_340 = arith.cmpi slt, %jit3A_327, %sign3A_339 : i32
      %sign3A_341 = arith.extui %sign3A_340 : i1 to i32
      %sign3A_342 = arith.subi %sign3A_338, %sign3A_341 : i32
      %ne3A_343 = arith.cmpi ne, %sign3A_335, %sign3A_342 : i32
      %rem3A_344 = arith.remsi %add3A_326, %jit3A_327 : i32
      %ne3A_345 = arith.constant 0 : i32
      %ne3A_346 = arith.cmpi ne, %rem3A_344, %ne3A_345 : i32
      %and3A_347 = arith.andi %ne3A_343, %ne3A_346 : i1
      %sub3A_348 = arith.constant 1 : i32
      %sub3A_349 = arith.subi %div3A_328, %sub3A_348 : i32
      %select_n3A_350 = arith.select %and3A_347, %sub3A_349, %div3A_328 : i32
      %dma_wait3A_351 = arith.constant 1 : i32
      %dma_wait3A_352 = arith.constant 0 : i32
      %dma_wait3A_353 = arith.constant 0 : i32
      %dma_wait3A_354 = tpu.memref_slice %arg6[%dma_wait3A_351, %dma_wait3A_352, %dma_wait3A_353] : memref<10x64x128xf32, #tpu.memory_space<vmem>> -> memref<1x64x128xf32, #tpu.memory_space<vmem>>
      %dma_wait3A_355 = tpu.memref_squeeze %dma_wait3A_354 : memref<1x64x128xf32, #tpu.memory_space<vmem>> -> memref<64x128xf32, #tpu.memory_space<vmem>>
      %dma_wait3A_356 = arith.constant 64 : i32
      %dma_wait3A_357 = tpu.memref_slice %arg5[%select_n3A_350, %dma_wait3A_356] : memref<50x128xi32, #tpu.memory_space<vmem>> -> memref<1x64xi32, #tpu.memory_space<vmem>>
      %dma_wait3A_358 = tpu.memref_squeeze %dma_wait3A_357 : memref<1x64xi32, #tpu.memory_space<vmem>> -> memref<64xi32, #tpu.memory_space<vmem>>
      %dma_wait3A_359 = arith.constant 0 : i32
      %dma_wait3A_360 = arith.constant 0 : i32
      %dma_wait3A_361 = tpu.memref_slice %arg3[%dma_wait3A_359, %dma_wait3A_360] : memref<100000x128xf32, #tpu.memory_space<hbm>> -> memref<100000x128xf32, #tpu.memory_space<hbm>>
      tpu.wait_indirect_dma semaphore(%arg8 : memref<!tpu.dma_semaphore, #tpu.memory_space<semaphore_mem>>) src(%dma_wait3A_361 : memref<100000x128xf32, #tpu.memory_space<hbm>>) dst(%dma_wait3A_355 : memref<64x128xf32, #tpu.memory_space<vmem>>)
      %jit3A_362 = arith.constant 2 : i32
      %div3A_363 = arith.divsi %add3A_326, %jit3A_362 : i32
      %sign3A_364 = arith.constant 0 : i32
      %sign3A_365 = arith.cmpi sgt, %add3A_326, %sign3A_364 : i32
      %sign3A_366 = arith.extui %sign3A_365 : i1 to i32
      %sign3A_367 = arith.constant 0 : i32
      %sign3A_368 = arith.cmpi slt, %add3A_326, %sign3A_367 : i32
      %sign3A_369 = arith.extui %sign3A_368 : i1 to i32
      %sign3A_370 = arith.subi %sign3A_366, %sign3A_369 : i32
      %sign3A_371 = arith.constant 0 : i32
      %sign3A_372 = arith.cmpi sgt, %jit3A_362, %sign3A_371 : i32
      %sign3A_373 = arith.extui %sign3A_372 : i1 to i32
      %sign3A_374 = arith.constant 0 : i32
      %sign3A_375 = arith.cmpi slt, %jit3A_362, %sign3A_374 : i32
      %sign3A_376 = arith.extui %sign3A_375 : i1 to i32
      %sign3A_377 = arith.subi %sign3A_373, %sign3A_376 : i32
      %ne3A_378 = arith.cmpi ne, %sign3A_370, %sign3A_377 : i32
      %rem3A_379 = arith.remsi %add3A_326, %jit3A_362 : i32
      %ne3A_380 = arith.constant 0 : i32
      %ne3A_381 = arith.cmpi ne, %rem3A_379, %ne3A_380 : i32
      %and3A_382 = arith.andi %ne3A_378, %ne3A_381 : i1
      %sub3A_383 = arith.constant 1 : i32
      %sub3A_384 = arith.subi %div3A_363, %sub3A_383 : i32
      %select_n3A_385 = arith.select %and3A_382, %sub3A_384, %div3A_363 : i32
      %add3A_386 = arith.constant 64 : i32
      %add3A_387 = arith.addi %mul3A_2, %add3A_386 : i32
      %dma_start3A_388 = arith.constant 1 : i32
      %dma_start3A_389 = arith.constant 0 : i32
      %dma_start3A_390 = arith.constant 0 : i32
      %dma_start3A_391 = tpu.memref_slice %arg6[%dma_start3A_388, %dma_start3A_389, %dma_start3A_390] : memref<10x64x128xf32, #tpu.memory_space<vmem>> -> memref<1x64x128xf32, #tpu.memory_space<vmem>>
      %dma_start3A_392 = tpu.memref_squeeze %dma_start3A_391 : memref<1x64x128xf32, #tpu.memory_space<vmem>> -> memref<64x128xf32, #tpu.memory_space<vmem>>
      %dma_start3A_393 = arith.constant 0 : i32
      %dma_start3A_394 = tpu.memref_slice %arg4[%select_n3A_385, %add3A_387, %dma_start3A_393] : memref<50x4096x128xf32, #tpu.memory_space<hbm>> -> memref<1x64x128xf32, #tpu.memory_space<hbm>>
      %dma_start3A_395 = tpu.memref_squeeze %dma_start3A_394 : memref<1x64x128xf32, #tpu.memory_space<hbm>> -> memref<64x128xf32, #tpu.memory_space<hbm>>
      %dma_start3A_396 = arith.constant 0 : i32
      %dma_start3A_397 = tpu.memref_slice %arg4[%select_n3A_385, %add3A_387, %dma_start3A_396] : memref<50x4096x128xf32, #tpu.memory_space<hbm>> -> memref<1x64x128xf32, #tpu.memory_space<hbm>>
      %dma_start3A_398 = tpu.memref_squeeze %dma_start3A_397 : memref<1x64x128xf32, #tpu.memory_space<hbm>> -> memref<64x128xf32, #tpu.memory_space<hbm>>
      %dma_start3A_399 = arith.constant 0 : i32
      %dma_start3A_400 = arith.constant 0 : i32
      %dma_start3A_401 = tpu.memref_slice %arg6[%dma_start3A_388, %dma_start3A_399, %dma_start3A_400] : memref<10x64x128xf32, #tpu.memory_space<vmem>> -> memref<1x64x128xf32, #tpu.memory_space<vmem>>
      %dma_start3A_402 = tpu.memref_squeeze %dma_start3A_401 : memref<1x64x128xf32, #tpu.memory_space<vmem>> -> memref<64x128xf32, #tpu.memory_space<vmem>>
      tpu.enqueue_dma source(%dma_start3A_402 : memref<64x128xf32, #tpu.memory_space<vmem>>) target(%dma_start3A_398 : memref<64x128xf32, #tpu.memory_space<hbm>>) target_semaphore(%arg18 : memref<!tpu.dma_semaphore, #tpu.memory_space<semaphore_mem>>)
      %add3A_403 = arith.constant 5 : i32
      %add3A_404 = arith.addi %add3A_326, %add3A_403 : i32
      %lt3A_405 = arith.constant 100 : i32
      %lt3A_406 = arith.cmpi slt, %add3A_404, %lt3A_405 : i32
      %convert_element_type3A_407 = arith.extui %lt3A_406 : i1 to i32
      %cond3A_408 = arith.constant 0 : i32
      %cond3A_409 = arith.cmpi ne, %convert_element_type3A_407, %cond3A_408 : i32
      scf.if %cond3A_409 {
        %sub3A_1106 = arith.constant 5 : i32
        %sub3A_1107 = arith.subi %add3A_326, %sub3A_1106 : i32
        %ge3A = arith.constant 0 : i32
        %ge3A_1108 = arith.cmpi sge, %sub3A_1107, %ge3A : i32
        %convert_element_type3A_1109 = arith.extui %ge3A_1108 : i1 to i32
        %cond3A_1110 = arith.constant 0 : i32
        %cond3A_1111 = arith.cmpi ne, %convert_element_type3A_1109, %cond3A_1110 : i32
        scf.if %cond3A_1111 {
          %sub3A_1149 = arith.constant 5 : i32
          %sub3A_1150 = arith.subi %add3A_326, %sub3A_1149 : i32
          %jit3A_1151 = arith.constant 2 : i32
          %div3A_1152 = arith.divsi %sub3A_1150, %jit3A_1151 : i32
          %sign3A_1153 = arith.constant 0 : i32
          %sign3A_1154 = arith.cmpi sgt, %sub3A_1150, %sign3A_1153 : i32
          %sign3A_1155 = arith.extui %sign3A_1154 : i1 to i32
          %sign3A_1156 = arith.constant 0 : i32
          %sign3A_1157 = arith.cmpi slt, %sub3A_1150, %sign3A_1156 : i32
          %sign3A_1158 = arith.extui %sign3A_1157 : i1 to i32
          %sign3A_1159 = arith.subi %sign3A_1155, %sign3A_1158 : i32
          %sign3A_1160 = arith.constant 0 : i32
          %sign3A_1161 = arith.cmpi sgt, %jit3A_1151, %sign3A_1160 : i32
          %sign3A_1162 = arith.extui %sign3A_1161 : i1 to i32
          %sign3A_1163 = arith.constant 0 : i32
          %sign3A_1164 = arith.cmpi slt, %jit3A_1151, %sign3A_1163 : i32
          %sign3A_1165 = arith.extui %sign3A_1164 : i1 to i32
          %sign3A_1166 = arith.subi %sign3A_1162, %sign3A_1165 : i32
          %ne3A_1167 = arith.cmpi ne, %sign3A_1159, %sign3A_1166 : i32
          %rem3A_1168 = arith.remsi %sub3A_1150, %jit3A_1151 : i32
          %ne3A_1169 = arith.constant 0 : i32
          %ne3A_1170 = arith.cmpi ne, %rem3A_1168, %ne3A_1169 : i32
          %and3A_1171 = arith.andi %ne3A_1167, %ne3A_1170 : i1
          %sub3A_1172 = arith.constant 1 : i32
          %sub3A_1173 = arith.subi %div3A_1152, %sub3A_1172 : i32
          %select_n3A_1174 = arith.select %and3A_1171, %sub3A_1173, %div3A_1152 : i32
          %add3A_1175 = arith.constant 0 : i32
          %add3A_1176 = arith.addi %mul3A_2, %add3A_1175 : i32
          %dma_wait3A_1177 = arith.constant 6 : i32
          %dma_wait3A_1178 = arith.constant 0 : i32
          %dma_wait3A_1179 = arith.constant 0 : i32
          %dma_wait3A_1180 = tpu.memref_slice %arg6[%dma_wait3A_1177, %dma_wait3A_1178, %dma_wait3A_1179] : memref<10x64x128xf32, #tpu.memory_space<vmem>> -> memref<1x64x128xf32, #tpu.memory_space<vmem>>
          %dma_wait3A_1181 = tpu.memref_squeeze %dma_wait3A_1180 : memref<1x64x128xf32, #tpu.memory_space<vmem>> -> memref<64x128xf32, #tpu.memory_space<vmem>>
          %dma_wait3A_1182 = arith.constant 0 : i32
          %dma_wait3A_1183 = tpu.memref_slice %arg4[%select_n3A_1174, %add3A_1176, %dma_wait3A_1182] : memref<50x4096x128xf32, #tpu.memory_space<hbm>> -> memref<1x64x128xf32, #tpu.memory_space<hbm>>
          %dma_wait3A_1184 = tpu.memref_squeeze %dma_wait3A_1183 : memref<1x64x128xf32, #tpu.memory_space<hbm>> -> memref<64x128xf32, #tpu.memory_space<hbm>>
          %dma_wait3A_1185 = arith.constant 0 : i32
          %dma_wait3A_1186 = tpu.memref_slice %arg4[%select_n3A_1174, %add3A_1176, %dma_wait3A_1185] : memref<50x4096x128xf32, #tpu.memory_space<hbm>> -> memref<1x64x128xf32, #tpu.memory_space<hbm>>
          %dma_wait3A_1187 = tpu.memref_squeeze %dma_wait3A_1186 : memref<1x64x128xf32, #tpu.memory_space<hbm>> -> memref<64x128xf32, #tpu.memory_space<hbm>>
          %dma_wait3A_1188 = arith.constant 0 : i32
          %dma_wait3A_1189 = arith.constant 0 : i32
          %dma_wait3A_1190 = tpu.memref_slice %arg6[%dma_wait3A_1177, %dma_wait3A_1188, %dma_wait3A_1189] : memref<10x64x128xf32, #tpu.memory_space<vmem>> -> memref<1x64x128xf32, #tpu.memory_space<vmem>>
          %dma_wait3A_1191 = tpu.memref_squeeze %dma_wait3A_1190 : memref<1x64x128xf32, #tpu.memory_space<vmem>> -> memref<64x128xf32, #tpu.memory_space<vmem>>
          tpu.wait_dma2 semaphore(%arg23 : memref<!tpu.dma_semaphore, #tpu.memory_space<semaphore_mem>>) src(%dma_wait3A_1191 : memref<64x128xf32, #tpu.memory_space<vmem>>) dst(%dma_wait3A_1187 : memref<64x128xf32, #tpu.memory_space<hbm>>)
        } else {
        }
        %add3A_1112 = arith.constant 5 : i32
        %add3A_1113 = arith.addi %add3A_326, %add3A_1112 : i32
        %jit3A_1114 = arith.constant 2 : i32
        %div3A_1115 = arith.divsi %add3A_1113, %jit3A_1114 : i32
        %sign3A_1116 = arith.constant 0 : i32
        %sign3A_1117 = arith.cmpi sgt, %add3A_1113, %sign3A_1116 : i32
        %sign3A_1118 = arith.extui %sign3A_1117 : i1 to i32
        %sign3A_1119 = arith.constant 0 : i32
        %sign3A_1120 = arith.cmpi slt, %add3A_1113, %sign3A_1119 : i32
        %sign3A_1121 = arith.extui %sign3A_1120 : i1 to i32
        %sign3A_1122 = arith.subi %sign3A_1118, %sign3A_1121 : i32
        %sign3A_1123 = arith.constant 0 : i32
        %sign3A_1124 = arith.cmpi sgt, %jit3A_1114, %sign3A_1123 : i32
        %sign3A_1125 = arith.extui %sign3A_1124 : i1 to i32
        %sign3A_1126 = arith.constant 0 : i32
        %sign3A_1127 = arith.cmpi slt, %jit3A_1114, %sign3A_1126 : i32
        %sign3A_1128 = arith.extui %sign3A_1127 : i1 to i32
        %sign3A_1129 = arith.subi %sign3A_1125, %sign3A_1128 : i32
        %ne3A_1130 = arith.cmpi ne, %sign3A_1122, %sign3A_1129 : i32
        %rem3A_1131 = arith.remsi %add3A_1113, %jit3A_1114 : i32
        %ne3A_1132 = arith.constant 0 : i32
        %ne3A_1133 = arith.cmpi ne, %rem3A_1131, %ne3A_1132 : i32
        %and3A_1134 = arith.andi %ne3A_1130, %ne3A_1133 : i1
        %sub3A_1135 = arith.constant 1 : i32
        %sub3A_1136 = arith.subi %div3A_1115, %sub3A_1135 : i32
        %select_n3A_1137 = arith.select %and3A_1134, %sub3A_1136, %div3A_1115 : i32
        %dma_start3A_1138 = arith.constant 6 : i32
        %dma_start3A_1139 = arith.constant 0 : i32
        %dma_start3A_1140 = arith.constant 0 : i32
        %dma_start3A_1141 = tpu.memref_slice %arg6[%dma_start3A_1138, %dma_start3A_1139, %dma_start3A_1140] : memref<10x64x128xf32, #tpu.memory_space<vmem>> -> memref<1x64x128xf32, #tpu.memory_space<vmem>>
        %dma_start3A_1142 = tpu.memref_squeeze %dma_start3A_1141 : memref<1x64x128xf32, #tpu.memory_space<vmem>> -> memref<64x128xf32, #tpu.memory_space<vmem>>
        %dma_start3A_1143 = arith.constant 0 : i32
        %dma_start3A_1144 = tpu.memref_slice %arg5[%select_n3A_1137, %dma_start3A_1143] : memref<50x128xi32, #tpu.memory_space<vmem>> -> memref<1x64xi32, #tpu.memory_space<vmem>>
        %dma_start3A_1145 = tpu.memref_squeeze %dma_start3A_1144 : memref<1x64xi32, #tpu.memory_space<vmem>> -> memref<64xi32, #tpu.memory_space<vmem>>
        %dma_start3A_1146 = arith.constant 0 : i32
        %dma_start3A_1147 = arith.constant 0 : i32
        %dma_start3A_1148 = tpu.memref_slice %arg3[%dma_start3A_1146, %dma_start3A_1147] : memref<100000x128xf32, #tpu.memory_space<hbm>> -> memref<100000x128xf32, #tpu.memory_space<hbm>>
        tpu.enqueue_indirect_dma source(%dma_start3A_1148 : memref<100000x128xf32, #tpu.memory_space<hbm>>) target(%dma_start3A_1142 : memref<64x128xf32, #tpu.memory_space<vmem>>) offsets(%dma_start3A_1145 : memref<64xi32, #tpu.memory_space<vmem>>) semaphore(%arg13 : memref<!tpu.dma_semaphore, #tpu.memory_space<semaphore_mem>>)
      } else {
      }
      %mul3A_410 = arith.constant 10 : i32
      %mul3A_411 = arith.muli %mul3A_410, %scan3A_246 : i32
      %add3A_412 = arith.constant 2 : i32
      %add3A_413 = arith.addi %mul3A_411, %add3A_412 : i32
      %jit3A_414 = arith.constant 2 : i32
      %div3A_415 = arith.divsi %add3A_413, %jit3A_414 : i32
      %sign3A_416 = arith.constant 0 : i32
      %sign3A_417 = arith.cmpi sgt, %add3A_413, %sign3A_416 : i32
      %sign3A_418 = arith.extui %sign3A_417 : i1 to i32
      %sign3A_419 = arith.constant 0 : i32
      %sign3A_420 = arith.cmpi slt, %add3A_413, %sign3A_419 : i32
      %sign3A_421 = arith.extui %sign3A_420 : i1 to i32
      %sign3A_422 = arith.subi %sign3A_418, %sign3A_421 : i32
      %sign3A_423 = arith.constant 0 : i32
      %sign3A_424 = arith.cmpi sgt, %jit3A_414, %sign3A_423 : i32
      %sign3A_425 = arith.extui %sign3A_424 : i1 to i32
      %sign3A_426 = arith.constant 0 : i32
      %sign3A_427 = arith.cmpi slt, %jit3A_414, %sign3A_426 : i32
      %sign3A_428 = arith.extui %sign3A_427 : i1 to i32
      %sign3A_429 = arith.subi %sign3A_425, %sign3A_428 : i32
      %ne3A_430 = arith.cmpi ne, %sign3A_422, %sign3A_429 : i32
      %rem3A_431 = arith.remsi %add3A_413, %jit3A_414 : i32
      %ne3A_432 = arith.constant 0 : i32
      %ne3A_433 = arith.cmpi ne, %rem3A_431, %ne3A_432 : i32
      %and3A_434 = arith.andi %ne3A_430, %ne3A_433 : i1
      %sub3A_435 = arith.constant 1 : i32
      %sub3A_436 = arith.subi %div3A_415, %sub3A_435 : i32
      %select_n3A_437 = arith.select %and3A_434, %sub3A_436, %div3A_415 : i32
      %dma_wait3A_438 = arith.constant 2 : i32
      %dma_wait3A_439 = arith.constant 0 : i32
      %dma_wait3A_440 = arith.constant 0 : i32
      %dma_wait3A_441 = tpu.memref_slice %arg6[%dma_wait3A_438, %dma_wait3A_439, %dma_wait3A_440] : memref<10x64x128xf32, #tpu.memory_space<vmem>> -> memref<1x64x128xf32, #tpu.memory_space<vmem>>
      %dma_wait3A_442 = tpu.memref_squeeze %dma_wait3A_441 : memref<1x64x128xf32, #tpu.memory_space<vmem>> -> memref<64x128xf32, #tpu.memory_space<vmem>>
      %dma_wait3A_443 = arith.constant 0 : i32
      %dma_wait3A_444 = tpu.memref_slice %arg5[%select_n3A_437, %dma_wait3A_443] : memref<50x128xi32, #tpu.memory_space<vmem>> -> memref<1x64xi32, #tpu.memory_space<vmem>>
      %dma_wait3A_445 = tpu.memref_squeeze %dma_wait3A_444 : memref<1x64xi32, #tpu.memory_space<vmem>> -> memref<64xi32, #tpu.memory_space<vmem>>
      %dma_wait3A_446 = arith.constant 0 : i32
      %dma_wait3A_447 = arith.constant 0 : i32
      %dma_wait3A_448 = tpu.memref_slice %arg3[%dma_wait3A_446, %dma_wait3A_447] : memref<100000x128xf32, #tpu.memory_space<hbm>> -> memref<100000x128xf32, #tpu.memory_space<hbm>>
      tpu.wait_indirect_dma semaphore(%arg9 : memref<!tpu.dma_semaphore, #tpu.memory_space<semaphore_mem>>) src(%dma_wait3A_448 : memref<100000x128xf32, #tpu.memory_space<hbm>>) dst(%dma_wait3A_442 : memref<64x128xf32, #tpu.memory_space<vmem>>)
      %jit3A_449 = arith.constant 2 : i32
      %div3A_450 = arith.divsi %add3A_413, %jit3A_449 : i32
      %sign3A_451 = arith.constant 0 : i32
      %sign3A_452 = arith.cmpi sgt, %add3A_413, %sign3A_451 : i32
      %sign3A_453 = arith.extui %sign3A_452 : i1 to i32
      %sign3A_454 = arith.constant 0 : i32
      %sign3A_455 = arith.cmpi slt, %add3A_413, %sign3A_454 : i32
      %sign3A_456 = arith.extui %sign3A_455 : i1 to i32
      %sign3A_457 = arith.subi %sign3A_453, %sign3A_456 : i32
      %sign3A_458 = arith.constant 0 : i32
      %sign3A_459 = arith.cmpi sgt, %jit3A_449, %sign3A_458 : i32
      %sign3A_460 = arith.extui %sign3A_459 : i1 to i32
      %sign3A_461 = arith.constant 0 : i32
      %sign3A_462 = arith.cmpi slt, %jit3A_449, %sign3A_461 : i32
      %sign3A_463 = arith.extui %sign3A_462 : i1 to i32
      %sign3A_464 = arith.subi %sign3A_460, %sign3A_463 : i32
      %ne3A_465 = arith.cmpi ne, %sign3A_457, %sign3A_464 : i32
      %rem3A_466 = arith.remsi %add3A_413, %jit3A_449 : i32
      %ne3A_467 = arith.constant 0 : i32
      %ne3A_468 = arith.cmpi ne, %rem3A_466, %ne3A_467 : i32
      %and3A_469 = arith.andi %ne3A_465, %ne3A_468 : i1
      %sub3A_470 = arith.constant 1 : i32
      %sub3A_471 = arith.subi %div3A_450, %sub3A_470 : i32
      %select_n3A_472 = arith.select %and3A_469, %sub3A_471, %div3A_450 : i32
      %add3A_473 = arith.constant 0 : i32
      %add3A_474 = arith.addi %mul3A_2, %add3A_473 : i32
      %dma_start3A_475 = arith.constant 2 : i32
      %dma_start3A_476 = arith.constant 0 : i32
      %dma_start3A_477 = arith.constant 0 : i32
      %dma_start3A_478 = tpu.memref_slice %arg6[%dma_start3A_475, %dma_start3A_476, %dma_start3A_477] : memref<10x64x128xf32, #tpu.memory_space<vmem>> -> memref<1x64x128xf32, #tpu.memory_space<vmem>>
      %dma_start3A_479 = tpu.memref_squeeze %dma_start3A_478 : memref<1x64x128xf32, #tpu.memory_space<vmem>> -> memref<64x128xf32, #tpu.memory_space<vmem>>
      %dma_start3A_480 = arith.constant 0 : i32
      %dma_start3A_481 = tpu.memref_slice %arg4[%select_n3A_472, %add3A_474, %dma_start3A_480] : memref<50x4096x128xf32, #tpu.memory_space<hbm>> -> memref<1x64x128xf32, #tpu.memory_space<hbm>>
      %dma_start3A_482 = tpu.memref_squeeze %dma_start3A_481 : memref<1x64x128xf32, #tpu.memory_space<hbm>> -> memref<64x128xf32, #tpu.memory_space<hbm>>
      %dma_start3A_483 = arith.constant 0 : i32
      %dma_start3A_484 = tpu.memref_slice %arg4[%select_n3A_472, %add3A_474, %dma_start3A_483] : memref<50x4096x128xf32, #tpu.memory_space<hbm>> -> memref<1x64x128xf32, #tpu.memory_space<hbm>>
      %dma_start3A_485 = tpu.memref_squeeze %dma_start3A_484 : memref<1x64x128xf32, #tpu.memory_space<hbm>> -> memref<64x128xf32, #tpu.memory_space<hbm>>
      %dma_start3A_486 = arith.constant 0 : i32
      %dma_start3A_487 = arith.constant 0 : i32
      %dma_start3A_488 = tpu.memref_slice %arg6[%dma_start3A_475, %dma_start3A_486, %dma_start3A_487] : memref<10x64x128xf32, #tpu.memory_space<vmem>> -> memref<1x64x128xf32, #tpu.memory_space<vmem>>
      %dma_start3A_489 = tpu.memref_squeeze %dma_start3A_488 : memref<1x64x128xf32, #tpu.memory_space<vmem>> -> memref<64x128xf32, #tpu.memory_space<vmem>>
      tpu.enqueue_dma source(%dma_start3A_489 : memref<64x128xf32, #tpu.memory_space<vmem>>) target(%dma_start3A_485 : memref<64x128xf32, #tpu.memory_space<hbm>>) target_semaphore(%arg19 : memref<!tpu.dma_semaphore, #tpu.memory_space<semaphore_mem>>)
      %add3A_490 = arith.constant 5 : i32
      %add3A_491 = arith.addi %add3A_413, %add3A_490 : i32
      %lt3A_492 = arith.constant 100 : i32
      %lt3A_493 = arith.cmpi slt, %add3A_491, %lt3A_492 : i32
      %convert_element_type3A_494 = arith.extui %lt3A_493 : i1 to i32
      %cond3A_495 = arith.constant 0 : i32
      %cond3A_496 = arith.cmpi ne, %convert_element_type3A_494, %cond3A_495 : i32
      scf.if %cond3A_496 {
        %sub3A_1106 = arith.constant 5 : i32
        %sub3A_1107 = arith.subi %add3A_413, %sub3A_1106 : i32
        %ge3A = arith.constant 0 : i32
        %ge3A_1108 = arith.cmpi sge, %sub3A_1107, %ge3A : i32
        %convert_element_type3A_1109 = arith.extui %ge3A_1108 : i1 to i32
        %cond3A_1110 = arith.constant 0 : i32
        %cond3A_1111 = arith.cmpi ne, %convert_element_type3A_1109, %cond3A_1110 : i32
        scf.if %cond3A_1111 {
          %sub3A_1149 = arith.constant 5 : i32
          %sub3A_1150 = arith.subi %add3A_413, %sub3A_1149 : i32
          %jit3A_1151 = arith.constant 2 : i32
          %div3A_1152 = arith.divsi %sub3A_1150, %jit3A_1151 : i32
          %sign3A_1153 = arith.constant 0 : i32
          %sign3A_1154 = arith.cmpi sgt, %sub3A_1150, %sign3A_1153 : i32
          %sign3A_1155 = arith.extui %sign3A_1154 : i1 to i32
          %sign3A_1156 = arith.constant 0 : i32
          %sign3A_1157 = arith.cmpi slt, %sub3A_1150, %sign3A_1156 : i32
          %sign3A_1158 = arith.extui %sign3A_1157 : i1 to i32
          %sign3A_1159 = arith.subi %sign3A_1155, %sign3A_1158 : i32
          %sign3A_1160 = arith.constant 0 : i32
          %sign3A_1161 = arith.cmpi sgt, %jit3A_1151, %sign3A_1160 : i32
          %sign3A_1162 = arith.extui %sign3A_1161 : i1 to i32
          %sign3A_1163 = arith.constant 0 : i32
          %sign3A_1164 = arith.cmpi slt, %jit3A_1151, %sign3A_1163 : i32
          %sign3A_1165 = arith.extui %sign3A_1164 : i1 to i32
          %sign3A_1166 = arith.subi %sign3A_1162, %sign3A_1165 : i32
          %ne3A_1167 = arith.cmpi ne, %sign3A_1159, %sign3A_1166 : i32
          %rem3A_1168 = arith.remsi %sub3A_1150, %jit3A_1151 : i32
          %ne3A_1169 = arith.constant 0 : i32
          %ne3A_1170 = arith.cmpi ne, %rem3A_1168, %ne3A_1169 : i32
          %and3A_1171 = arith.andi %ne3A_1167, %ne3A_1170 : i1
          %sub3A_1172 = arith.constant 1 : i32
          %sub3A_1173 = arith.subi %div3A_1152, %sub3A_1172 : i32
          %select_n3A_1174 = arith.select %and3A_1171, %sub3A_1173, %div3A_1152 : i32
          %add3A_1175 = arith.constant 64 : i32
          %add3A_1176 = arith.addi %mul3A_2, %add3A_1175 : i32
          %dma_wait3A_1177 = arith.constant 7 : i32
          %dma_wait3A_1178 = arith.constant 0 : i32
          %dma_wait3A_1179 = arith.constant 0 : i32
          %dma_wait3A_1180 = tpu.memref_slice %arg6[%dma_wait3A_1177, %dma_wait3A_1178, %dma_wait3A_1179] : memref<10x64x128xf32, #tpu.memory_space<vmem>> -> memref<1x64x128xf32, #tpu.memory_space<vmem>>
          %dma_wait3A_1181 = tpu.memref_squeeze %dma_wait3A_1180 : memref<1x64x128xf32, #tpu.memory_space<vmem>> -> memref<64x128xf32, #tpu.memory_space<vmem>>
          %dma_wait3A_1182 = arith.constant 0 : i32
          %dma_wait3A_1183 = tpu.memref_slice %arg4[%select_n3A_1174, %add3A_1176, %dma_wait3A_1182] : memref<50x4096x128xf32, #tpu.memory_space<hbm>> -> memref<1x64x128xf32, #tpu.memory_space<hbm>>
          %dma_wait3A_1184 = tpu.memref_squeeze %dma_wait3A_1183 : memref<1x64x128xf32, #tpu.memory_space<hbm>> -> memref<64x128xf32, #tpu.memory_space<hbm>>
          %dma_wait3A_1185 = arith.constant 0 : i32
          %dma_wait3A_1186 = tpu.memref_slice %arg4[%select_n3A_1174, %add3A_1176, %dma_wait3A_1185] : memref<50x4096x128xf32, #tpu.memory_space<hbm>> -> memref<1x64x128xf32, #tpu.memory_space<hbm>>
          %dma_wait3A_1187 = tpu.memref_squeeze %dma_wait3A_1186 : memref<1x64x128xf32, #tpu.memory_space<hbm>> -> memref<64x128xf32, #tpu.memory_space<hbm>>
          %dma_wait3A_1188 = arith.constant 0 : i32
          %dma_wait3A_1189 = arith.constant 0 : i32
          %dma_wait3A_1190 = tpu.memref_slice %arg6[%dma_wait3A_1177, %dma_wait3A_1188, %dma_wait3A_1189] : memref<10x64x128xf32, #tpu.memory_space<vmem>> -> memref<1x64x128xf32, #tpu.memory_space<vmem>>
          %dma_wait3A_1191 = tpu.memref_squeeze %dma_wait3A_1190 : memref<1x64x128xf32, #tpu.memory_space<vmem>> -> memref<64x128xf32, #tpu.memory_space<vmem>>
          tpu.wait_dma2 semaphore(%arg24 : memref<!tpu.dma_semaphore, #tpu.memory_space<semaphore_mem>>) src(%dma_wait3A_1191 : memref<64x128xf32, #tpu.memory_space<vmem>>) dst(%dma_wait3A_1187 : memref<64x128xf32, #tpu.memory_space<hbm>>)
        } else {
        }
        %add3A_1112 = arith.constant 5 : i32
        %add3A_1113 = arith.addi %add3A_413, %add3A_1112 : i32
        %jit3A_1114 = arith.constant 2 : i32
        %div3A_1115 = arith.divsi %add3A_1113, %jit3A_1114 : i32
        %sign3A_1116 = arith.constant 0 : i32
        %sign3A_1117 = arith.cmpi sgt, %add3A_1113, %sign3A_1116 : i32
        %sign3A_1118 = arith.extui %sign3A_1117 : i1 to i32
        %sign3A_1119 = arith.constant 0 : i32
        %sign3A_1120 = arith.cmpi slt, %add3A_1113, %sign3A_1119 : i32
        %sign3A_1121 = arith.extui %sign3A_1120 : i1 to i32
        %sign3A_1122 = arith.subi %sign3A_1118, %sign3A_1121 : i32
        %sign3A_1123 = arith.constant 0 : i32
        %sign3A_1124 = arith.cmpi sgt, %jit3A_1114, %sign3A_1123 : i32
        %sign3A_1125 = arith.extui %sign3A_1124 : i1 to i32
        %sign3A_1126 = arith.constant 0 : i32
        %sign3A_1127 = arith.cmpi slt, %jit3A_1114, %sign3A_1126 : i32
        %sign3A_1128 = arith.extui %sign3A_1127 : i1 to i32
        %sign3A_1129 = arith.subi %sign3A_1125, %sign3A_1128 : i32
        %ne3A_1130 = arith.cmpi ne, %sign3A_1122, %sign3A_1129 : i32
        %rem3A_1131 = arith.remsi %add3A_1113, %jit3A_1114 : i32
        %ne3A_1132 = arith.constant 0 : i32
        %ne3A_1133 = arith.cmpi ne, %rem3A_1131, %ne3A_1132 : i32
        %and3A_1134 = arith.andi %ne3A_1130, %ne3A_1133 : i1
        %sub3A_1135 = arith.constant 1 : i32
        %sub3A_1136 = arith.subi %div3A_1115, %sub3A_1135 : i32
        %select_n3A_1137 = arith.select %and3A_1134, %sub3A_1136, %div3A_1115 : i32
        %dma_start3A_1138 = arith.constant 7 : i32
        %dma_start3A_1139 = arith.constant 0 : i32
        %dma_start3A_1140 = arith.constant 0 : i32
        %dma_start3A_1141 = tpu.memref_slice %arg6[%dma_start3A_1138, %dma_start3A_1139, %dma_start3A_1140] : memref<10x64x128xf32, #tpu.memory_space<vmem>> -> memref<1x64x128xf32, #tpu.memory_space<vmem>>
        %dma_start3A_1142 = tpu.memref_squeeze %dma_start3A_1141 : memref<1x64x128xf32, #tpu.memory_space<vmem>> -> memref<64x128xf32, #tpu.memory_space<vmem>>
        %dma_start3A_1143 = arith.constant 64 : i32
        %dma_start3A_1144 = tpu.memref_slice %arg5[%select_n3A_1137, %dma_start3A_1143] : memref<50x128xi32, #tpu.memory_space<vmem>> -> memref<1x64xi32, #tpu.memory_space<vmem>>
        %dma_start3A_1145 = tpu.memref_squeeze %dma_start3A_1144 : memref<1x64xi32, #tpu.memory_space<vmem>> -> memref<64xi32, #tpu.memory_space<vmem>>
        %dma_start3A_1146 = arith.constant 0 : i32
        %dma_start3A_1147 = arith.constant 0 : i32
        %dma_start3A_1148 = tpu.memref_slice %arg3[%dma_start3A_1146, %dma_start3A_1147] : memref<100000x128xf32, #tpu.memory_space<hbm>> -> memref<100000x128xf32, #tpu.memory_space<hbm>>
        tpu.enqueue_indirect_dma source(%dma_start3A_1148 : memref<100000x128xf32, #tpu.memory_space<hbm>>) target(%dma_start3A_1142 : memref<64x128xf32, #tpu.memory_space<vmem>>) offsets(%dma_start3A_1145 : memref<64xi32, #tpu.memory_space<vmem>>) semaphore(%arg14 : memref<!tpu.dma_semaphore, #tpu.memory_space<semaphore_mem>>)
      } else {
      }
      %mul3A_497 = arith.constant 10 : i32
      %mul3A_498 = arith.muli %mul3A_497, %scan3A_246 : i32
      %add3A_499 = arith.constant 3 : i32
      %add3A_500 = arith.addi %mul3A_498, %add3A_499 : i32
      %jit3A_501 = arith.constant 2 : i32
      %div3A_502 = arith.divsi %add3A_500, %jit3A_501 : i32
      %sign3A_503 = arith.constant 0 : i32
      %sign3A_504 = arith.cmpi sgt, %add3A_500, %sign3A_503 : i32
      %sign3A_505 = arith.extui %sign3A_504 : i1 to i32
      %sign3A_506 = arith.constant 0 : i32
      %sign3A_507 = arith.cmpi slt, %add3A_500, %sign3A_506 : i32
      %sign3A_508 = arith.extui %sign3A_507 : i1 to i32
      %sign3A_509 = arith.subi %sign3A_505, %sign3A_508 : i32
      %sign3A_510 = arith.constant 0 : i32
      %sign3A_511 = arith.cmpi sgt, %jit3A_501, %sign3A_510 : i32
      %sign3A_512 = arith.extui %sign3A_511 : i1 to i32
      %sign3A_513 = arith.constant 0 : i32
      %sign3A_514 = arith.cmpi slt, %jit3A_501, %sign3A_513 : i32
      %sign3A_515 = arith.extui %sign3A_514 : i1 to i32
      %sign3A_516 = arith.subi %sign3A_512, %sign3A_515 : i32
      %ne3A_517 = arith.cmpi ne, %sign3A_509, %sign3A_516 : i32
      %rem3A_518 = arith.remsi %add3A_500, %jit3A_501 : i32
      %ne3A_519 = arith.constant 0 : i32
      %ne3A_520 = arith.cmpi ne, %rem3A_518, %ne3A_519 : i32
      %and3A_521 = arith.andi %ne3A_517, %ne3A_520 : i1
      %sub3A_522 = arith.constant 1 : i32
      %sub3A_523 = arith.subi %div3A_502, %sub3A_522 : i32
      %select_n3A_524 = arith.select %and3A_521, %sub3A_523, %div3A_502 : i32
      %dma_wait3A_525 = arith.constant 3 : i32
      %dma_wait3A_526 = arith.constant 0 : i32
      %dma_wait3A_527 = arith.constant 0 : i32
      %dma_wait3A_528 = tpu.memref_slice %arg6[%dma_wait3A_525, %dma_wait3A_526, %dma_wait3A_527] : memref<10x64x128xf32, #tpu.memory_space<vmem>> -> memref<1x64x128xf32, #tpu.memory_space<vmem>>
      %dma_wait3A_529 = tpu.memref_squeeze %dma_wait3A_528 : memref<1x64x128xf32, #tpu.memory_space<vmem>> -> memref<64x128xf32, #tpu.memory_space<vmem>>
      %dma_wait3A_530 = arith.constant 64 : i32
      %dma_wait3A_531 = tpu.memref_slice %arg5[%select_n3A_524, %dma_wait3A_530] : memref<50x128xi32, #tpu.memory_space<vmem>> -> memref<1x64xi32, #tpu.memory_space<vmem>>
      %dma_wait3A_532 = tpu.memref_squeeze %dma_wait3A_531 : memref<1x64xi32, #tpu.memory_space<vmem>> -> memref<64xi32, #tpu.memory_space<vmem>>
      %dma_wait3A_533 = arith.constant 0 : i32
      %dma_wait3A_534 = arith.constant 0 : i32
      %dma_wait3A_535 = tpu.memref_slice %arg3[%dma_wait3A_533, %dma_wait3A_534] : memref<100000x128xf32, #tpu.memory_space<hbm>> -> memref<100000x128xf32, #tpu.memory_space<hbm>>
      tpu.wait_indirect_dma semaphore(%arg10 : memref<!tpu.dma_semaphore, #tpu.memory_space<semaphore_mem>>) src(%dma_wait3A_535 : memref<100000x128xf32, #tpu.memory_space<hbm>>) dst(%dma_wait3A_529 : memref<64x128xf32, #tpu.memory_space<vmem>>)
      %jit3A_536 = arith.constant 2 : i32
      %div3A_537 = arith.divsi %add3A_500, %jit3A_536 : i32
      %sign3A_538 = arith.constant 0 : i32
      %sign3A_539 = arith.cmpi sgt, %add3A_500, %sign3A_538 : i32
      %sign3A_540 = arith.extui %sign3A_539 : i1 to i32
      %sign3A_541 = arith.constant 0 : i32
      %sign3A_542 = arith.cmpi slt, %add3A_500, %sign3A_541 : i32
      %sign3A_543 = arith.extui %sign3A_542 : i1 to i32
      %sign3A_544 = arith.subi %sign3A_540, %sign3A_543 : i32
      %sign3A_545 = arith.constant 0 : i32
      %sign3A_546 = arith.cmpi sgt, %jit3A_536, %sign3A_545 : i32
      %sign3A_547 = arith.extui %sign3A_546 : i1 to i32
      %sign3A_548 = arith.constant 0 : i32
      %sign3A_549 = arith.cmpi slt, %jit3A_536, %sign3A_548 : i32
      %sign3A_550 = arith.extui %sign3A_549 : i1 to i32
      %sign3A_551 = arith.subi %sign3A_547, %sign3A_550 : i32
      %ne3A_552 = arith.cmpi ne, %sign3A_544, %sign3A_551 : i32
      %rem3A_553 = arith.remsi %add3A_500, %jit3A_536 : i32
      %ne3A_554 = arith.constant 0 : i32
      %ne3A_555 = arith.cmpi ne, %rem3A_553, %ne3A_554 : i32
      %and3A_556 = arith.andi %ne3A_552, %ne3A_555 : i1
      %sub3A_557 = arith.constant 1 : i32
      %sub3A_558 = arith.subi %div3A_537, %sub3A_557 : i32
      %select_n3A_559 = arith.select %and3A_556, %sub3A_558, %div3A_537 : i32
      %add3A_560 = arith.constant 64 : i32
      %add3A_561 = arith.addi %mul3A_2, %add3A_560 : i32
      %dma_start3A_562 = arith.constant 3 : i32
      %dma_start3A_563 = arith.constant 0 : i32
      %dma_start3A_564 = arith.constant 0 : i32
      %dma_start3A_565 = tpu.memref_slice %arg6[%dma_start3A_562, %dma_start3A_563, %dma_start3A_564] : memref<10x64x128xf32, #tpu.memory_space<vmem>> -> memref<1x64x128xf32, #tpu.memory_space<vmem>>
      %dma_start3A_566 = tpu.memref_squeeze %dma_start3A_565 : memref<1x64x128xf32, #tpu.memory_space<vmem>> -> memref<64x128xf32, #tpu.memory_space<vmem>>
      %dma_start3A_567 = arith.constant 0 : i32
      %dma_start3A_568 = tpu.memref_slice %arg4[%select_n3A_559, %add3A_561, %dma_start3A_567] : memref<50x4096x128xf32, #tpu.memory_space<hbm>> -> memref<1x64x128xf32, #tpu.memory_space<hbm>>
      %dma_start3A_569 = tpu.memref_squeeze %dma_start3A_568 : memref<1x64x128xf32, #tpu.memory_space<hbm>> -> memref<64x128xf32, #tpu.memory_space<hbm>>
      %dma_start3A_570 = arith.constant 0 : i32
      %dma_start3A_571 = tpu.memref_slice %arg4[%select_n3A_559, %add3A_561, %dma_start3A_570] : memref<50x4096x128xf32, #tpu.memory_space<hbm>> -> memref<1x64x128xf32, #tpu.memory_space<hbm>>
      %dma_start3A_572 = tpu.memref_squeeze %dma_start3A_571 : memref<1x64x128xf32, #tpu.memory_space<hbm>> -> memref<64x128xf32, #tpu.memory_space<hbm>>
      %dma_start3A_573 = arith.constant 0 : i32
      %dma_start3A_574 = arith.constant 0 : i32
      %dma_start3A_575 = tpu.memref_slice %arg6[%dma_start3A_562, %dma_start3A_573, %dma_start3A_574] : memref<10x64x128xf32, #tpu.memory_space<vmem>> -> memref<1x64x128xf32, #tpu.memory_space<vmem>>
      %dma_start3A_576 = tpu.memref_squeeze %dma_start3A_575 : memref<1x64x128xf32, #tpu.memory_space<vmem>> -> memref<64x128xf32, #tpu.memory_space<vmem>>
      tpu.enqueue_dma source(%dma_start3A_576 : memref<64x128xf32, #tpu.memory_space<vmem>>) target(%dma_start3A_572 : memref<64x128xf32, #tpu.memory_space<hbm>>) target_semaphore(%arg20 : memref<!tpu.dma_semaphore, #tpu.memory_space<semaphore_mem>>)
      %add3A_577 = arith.constant 5 : i32
      %add3A_578 = arith.addi %add3A_500, %add3A_577 : i32
      %lt3A_579 = arith.constant 100 : i32
      %lt3A_580 = arith.cmpi slt, %add3A_578, %lt3A_579 : i32
      %convert_element_type3A_581 = arith.extui %lt3A_580 : i1 to i32
      %cond3A_582 = arith.constant 0 : i32
      %cond3A_583 = arith.cmpi ne, %convert_element_type3A_581, %cond3A_582 : i32
      scf.if %cond3A_583 {
        %sub3A_1106 = arith.constant 5 : i32
        %sub3A_1107 = arith.subi %add3A_500, %sub3A_1106 : i32
        %ge3A = arith.constant 0 : i32
        %ge3A_1108 = arith.cmpi sge, %sub3A_1107, %ge3A : i32
        %convert_element_type3A_1109 = arith.extui %ge3A_1108 : i1 to i32
        %cond3A_1110 = arith.constant 0 : i32
        %cond3A_1111 = arith.cmpi ne, %convert_element_type3A_1109, %cond3A_1110 : i32
        scf.if %cond3A_1111 {
          %sub3A_1149 = arith.constant 5 : i32
          %sub3A_1150 = arith.subi %add3A_500, %sub3A_1149 : i32
          %jit3A_1151 = arith.constant 2 : i32
          %div3A_1152 = arith.divsi %sub3A_1150, %jit3A_1151 : i32
          %sign3A_1153 = arith.constant 0 : i32
          %sign3A_1154 = arith.cmpi sgt, %sub3A_1150, %sign3A_1153 : i32
          %sign3A_1155 = arith.extui %sign3A_1154 : i1 to i32
          %sign3A_1156 = arith.constant 0 : i32
          %sign3A_1157 = arith.cmpi slt, %sub3A_1150, %sign3A_1156 : i32
          %sign3A_1158 = arith.extui %sign3A_1157 : i1 to i32
          %sign3A_1159 = arith.subi %sign3A_1155, %sign3A_1158 : i32
          %sign3A_1160 = arith.constant 0 : i32
          %sign3A_1161 = arith.cmpi sgt, %jit3A_1151, %sign3A_1160 : i32
          %sign3A_1162 = arith.extui %sign3A_1161 : i1 to i32
          %sign3A_1163 = arith.constant 0 : i32
          %sign3A_1164 = arith.cmpi slt, %jit3A_1151, %sign3A_1163 : i32
          %sign3A_1165 = arith.extui %sign3A_1164 : i1 to i32
          %sign3A_1166 = arith.subi %sign3A_1162, %sign3A_1165 : i32
          %ne3A_1167 = arith.cmpi ne, %sign3A_1159, %sign3A_1166 : i32
          %rem3A_1168 = arith.remsi %sub3A_1150, %jit3A_1151 : i32
          %ne3A_1169 = arith.constant 0 : i32
          %ne3A_1170 = arith.cmpi ne, %rem3A_1168, %ne3A_1169 : i32
          %and3A_1171 = arith.andi %ne3A_1167, %ne3A_1170 : i1
          %sub3A_1172 = arith.constant 1 : i32
          %sub3A_1173 = arith.subi %div3A_1152, %sub3A_1172 : i32
          %select_n3A_1174 = arith.select %and3A_1171, %sub3A_1173, %div3A_1152 : i32
          %add3A_1175 = arith.constant 0 : i32
          %add3A_1176 = arith.addi %mul3A_2, %add3A_1175 : i32
          %dma_wait3A_1177 = arith.constant 8 : i32
          %dma_wait3A_1178 = arith.constant 0 : i32
          %dma_wait3A_1179 = arith.constant 0 : i32
          %dma_wait3A_1180 = tpu.memref_slice %arg6[%dma_wait3A_1177, %dma_wait3A_1178, %dma_wait3A_1179] : memref<10x64x128xf32, #tpu.memory_space<vmem>> -> memref<1x64x128xf32, #tpu.memory_space<vmem>>
          %dma_wait3A_1181 = tpu.memref_squeeze %dma_wait3A_1180 : memref<1x64x128xf32, #tpu.memory_space<vmem>> -> memref<64x128xf32, #tpu.memory_space<vmem>>
          %dma_wait3A_1182 = arith.constant 0 : i32
          %dma_wait3A_1183 = tpu.memref_slice %arg4[%select_n3A_1174, %add3A_1176, %dma_wait3A_1182] : memref<50x4096x128xf32, #tpu.memory_space<hbm>> -> memref<1x64x128xf32, #tpu.memory_space<hbm>>
          %dma_wait3A_1184 = tpu.memref_squeeze %dma_wait3A_1183 : memref<1x64x128xf32, #tpu.memory_space<hbm>> -> memref<64x128xf32, #tpu.memory_space<hbm>>
          %dma_wait3A_1185 = arith.constant 0 : i32
          %dma_wait3A_1186 = tpu.memref_slice %arg4[%select_n3A_1174, %add3A_1176, %dma_wait3A_1185] : memref<50x4096x128xf32, #tpu.memory_space<hbm>> -> memref<1x64x128xf32, #tpu.memory_space<hbm>>
          %dma_wait3A_1187 = tpu.memref_squeeze %dma_wait3A_1186 : memref<1x64x128xf32, #tpu.memory_space<hbm>> -> memref<64x128xf32, #tpu.memory_space<hbm>>
          %dma_wait3A_1188 = arith.constant 0 : i32
          %dma_wait3A_1189 = arith.constant 0 : i32
          %dma_wait3A_1190 = tpu.memref_slice %arg6[%dma_wait3A_1177, %dma_wait3A_1188, %dma_wait3A_1189] : memref<10x64x128xf32, #tpu.memory_space<vmem>> -> memref<1x64x128xf32, #tpu.memory_space<vmem>>
          %dma_wait3A_1191 = tpu.memref_squeeze %dma_wait3A_1190 : memref<1x64x128xf32, #tpu.memory_space<vmem>> -> memref<64x128xf32, #tpu.memory_space<vmem>>
          tpu.wait_dma2 semaphore(%arg25 : memref<!tpu.dma_semaphore, #tpu.memory_space<semaphore_mem>>) src(%dma_wait3A_1191 : memref<64x128xf32, #tpu.memory_space<vmem>>) dst(%dma_wait3A_1187 : memref<64x128xf32, #tpu.memory_space<hbm>>)
        } else {
        }
        %add3A_1112 = arith.constant 5 : i32
        %add3A_1113 = arith.addi %add3A_500, %add3A_1112 : i32
        %jit3A_1114 = arith.constant 2 : i32
        %div3A_1115 = arith.divsi %add3A_1113, %jit3A_1114 : i32
        %sign3A_1116 = arith.constant 0 : i32
        %sign3A_1117 = arith.cmpi sgt, %add3A_1113, %sign3A_1116 : i32
        %sign3A_1118 = arith.extui %sign3A_1117 : i1 to i32
        %sign3A_1119 = arith.constant 0 : i32
        %sign3A_1120 = arith.cmpi slt, %add3A_1113, %sign3A_1119 : i32
        %sign3A_1121 = arith.extui %sign3A_1120 : i1 to i32
        %sign3A_1122 = arith.subi %sign3A_1118, %sign3A_1121 : i32
        %sign3A_1123 = arith.constant 0 : i32
        %sign3A_1124 = arith.cmpi sgt, %jit3A_1114, %sign3A_1123 : i32
        %sign3A_1125 = arith.extui %sign3A_1124 : i1 to i32
        %sign3A_1126 = arith.constant 0 : i32
        %sign3A_1127 = arith.cmpi slt, %jit3A_1114, %sign3A_1126 : i32
        %sign3A_1128 = arith.extui %sign3A_1127 : i1 to i32
        %sign3A_1129 = arith.subi %sign3A_1125, %sign3A_1128 : i32
        %ne3A_1130 = arith.cmpi ne, %sign3A_1122, %sign3A_1129 : i32
        %rem3A_1131 = arith.remsi %add3A_1113, %jit3A_1114 : i32
        %ne3A_1132 = arith.constant 0 : i32
        %ne3A_1133 = arith.cmpi ne, %rem3A_1131, %ne3A_1132 : i32
        %and3A_1134 = arith.andi %ne3A_1130, %ne3A_1133 : i1
        %sub3A_1135 = arith.constant 1 : i32
        %sub3A_1136 = arith.subi %div3A_1115, %sub3A_1135 : i32
        %select_n3A_1137 = arith.select %and3A_1134, %sub3A_1136, %div3A_1115 : i32
        %dma_start3A_1138 = arith.constant 8 : i32
        %dma_start3A_1139 = arith.constant 0 : i32
        %dma_start3A_1140 = arith.constant 0 : i32
        %dma_start3A_1141 = tpu.memref_slice %arg6[%dma_start3A_1138, %dma_start3A_1139, %dma_start3A_1140] : memref<10x64x128xf32, #tpu.memory_space<vmem>> -> memref<1x64x128xf32, #tpu.memory_space<vmem>>
        %dma_start3A_1142 = tpu.memref_squeeze %dma_start3A_1141 : memref<1x64x128xf32, #tpu.memory_space<vmem>> -> memref<64x128xf32, #tpu.memory_space<vmem>>
        %dma_start3A_1143 = arith.constant 0 : i32
        %dma_start3A_1144 = tpu.memref_slice %arg5[%select_n3A_1137, %dma_start3A_1143] : memref<50x128xi32, #tpu.memory_space<vmem>> -> memref<1x64xi32, #tpu.memory_space<vmem>>
        %dma_start3A_1145 = tpu.memref_squeeze %dma_start3A_1144 : memref<1x64xi32, #tpu.memory_space<vmem>> -> memref<64xi32, #tpu.memory_space<vmem>>
        %dma_start3A_1146 = arith.constant 0 : i32
        %dma_start3A_1147 = arith.constant 0 : i32
        %dma_start3A_1148 = tpu.memref_slice %arg3[%dma_start3A_1146, %dma_start3A_1147] : memref<100000x128xf32, #tpu.memory_space<hbm>> -> memref<100000x128xf32, #tpu.memory_space<hbm>>
        tpu.enqueue_indirect_dma source(%dma_start3A_1148 : memref<100000x128xf32, #tpu.memory_space<hbm>>) target(%dma_start3A_1142 : memref<64x128xf32, #tpu.memory_space<vmem>>) offsets(%dma_start3A_1145 : memref<64xi32, #tpu.memory_space<vmem>>) semaphore(%arg15 : memref<!tpu.dma_semaphore, #tpu.memory_space<semaphore_mem>>)
      } else {
      }
      %mul3A_584 = arith.constant 10 : i32
      %mul3A_585 = arith.muli %mul3A_584, %scan3A_246 : i32
      %add3A_586 = arith.constant 4 : i32
      %add3A_587 = arith.addi %mul3A_585, %add3A_586 : i32
      %jit3A_588 = arith.constant 2 : i32
      %div3A_589 = arith.divsi %add3A_587, %jit3A_588 : i32
      %sign3A_590 = arith.constant 0 : i32
      %sign3A_591 = arith.cmpi sgt, %add3A_587, %sign3A_590 : i32
      %sign3A_592 = arith.extui %sign3A_591 : i1 to i32
      %sign3A_593 = arith.constant 0 : i32
      %sign3A_594 = arith.cmpi slt, %add3A_587, %sign3A_593 : i32
      %sign3A_595 = arith.extui %sign3A_594 : i1 to i32
      %sign3A_596 = arith.subi %sign3A_592, %sign3A_595 : i32
      %sign3A_597 = arith.constant 0 : i32
      %sign3A_598 = arith.cmpi sgt, %jit3A_588, %sign3A_597 : i32
      %sign3A_599 = arith.extui %sign3A_598 : i1 to i32
      %sign3A_600 = arith.constant 0 : i32
      %sign3A_601 = arith.cmpi slt, %jit3A_588, %sign3A_600 : i32
      %sign3A_602 = arith.extui %sign3A_601 : i1 to i32
      %sign3A_603 = arith.subi %sign3A_599, %sign3A_602 : i32
      %ne3A_604 = arith.cmpi ne, %sign3A_596, %sign3A_603 : i32
      %rem3A_605 = arith.remsi %add3A_587, %jit3A_588 : i32
      %ne3A_606 = arith.constant 0 : i32
      %ne3A_607 = arith.cmpi ne, %rem3A_605, %ne3A_606 : i32
      %and3A_608 = arith.andi %ne3A_604, %ne3A_607 : i1
      %sub3A_609 = arith.constant 1 : i32
      %sub3A_610 = arith.subi %div3A_589, %sub3A_609 : i32
      %select_n3A_611 = arith.select %and3A_608, %sub3A_610, %div3A_589 : i32
      %dma_wait3A_612 = arith.constant 4 : i32
      %dma_wait3A_613 = arith.constant 0 : i32
      %dma_wait3A_614 = arith.constant 0 : i32
      %dma_wait3A_615 = tpu.memref_slice %arg6[%dma_wait3A_612, %dma_wait3A_613, %dma_wait3A_614] : memref<10x64x128xf32, #tpu.memory_space<vmem>> -> memref<1x64x128xf32, #tpu.memory_space<vmem>>
      %dma_wait3A_616 = tpu.memref_squeeze %dma_wait3A_615 : memref<1x64x128xf32, #tpu.memory_space<vmem>> -> memref<64x128xf32, #tpu.memory_space<vmem>>
      %dma_wait3A_617 = arith.constant 0 : i32
      %dma_wait3A_618 = tpu.memref_slice %arg5[%select_n3A_611, %dma_wait3A_617] : memref<50x128xi32, #tpu.memory_space<vmem>> -> memref<1x64xi32, #tpu.memory_space<vmem>>
      %dma_wait3A_619 = tpu.memref_squeeze %dma_wait3A_618 : memref<1x64xi32, #tpu.memory_space<vmem>> -> memref<64xi32, #tpu.memory_space<vmem>>
      %dma_wait3A_620 = arith.constant 0 : i32
      %dma_wait3A_621 = arith.constant 0 : i32
      %dma_wait3A_622 = tpu.memref_slice %arg3[%dma_wait3A_620, %dma_wait3A_621] : memref<100000x128xf32, #tpu.memory_space<hbm>> -> memref<100000x128xf32, #tpu.memory_space<hbm>>
      tpu.wait_indirect_dma semaphore(%arg11 : memref<!tpu.dma_semaphore, #tpu.memory_space<semaphore_mem>>) src(%dma_wait3A_622 : memref<100000x128xf32, #tpu.memory_space<hbm>>) dst(%dma_wait3A_616 : memref<64x128xf32, #tpu.memory_space<vmem>>)
      %jit3A_623 = arith.constant 2 : i32
      %div3A_624 = arith.divsi %add3A_587, %jit3A_623 : i32
      %sign3A_625 = arith.constant 0 : i32
      %sign3A_626 = arith.cmpi sgt, %add3A_587, %sign3A_625 : i32
      %sign3A_627 = arith.extui %sign3A_626 : i1 to i32
      %sign3A_628 = arith.constant 0 : i32
      %sign3A_629 = arith.cmpi slt, %add3A_587, %sign3A_628 : i32
      %sign3A_630 = arith.extui %sign3A_629 : i1 to i32
      %sign3A_631 = arith.subi %sign3A_627, %sign3A_630 : i32
      %sign3A_632 = arith.constant 0 : i32
      %sign3A_633 = arith.cmpi sgt, %jit3A_623, %sign3A_632 : i32
      %sign3A_634 = arith.extui %sign3A_633 : i1 to i32
      %sign3A_635 = arith.constant 0 : i32
      %sign3A_636 = arith.cmpi slt, %jit3A_623, %sign3A_635 : i32
      %sign3A_637 = arith.extui %sign3A_636 : i1 to i32
      %sign3A_638 = arith.subi %sign3A_634, %sign3A_637 : i32
      %ne3A_639 = arith.cmpi ne, %sign3A_631, %sign3A_638 : i32
      %rem3A_640 = arith.remsi %add3A_587, %jit3A_623 : i32
      %ne3A_641 = arith.constant 0 : i32
      %ne3A_642 = arith.cmpi ne, %rem3A_640, %ne3A_641 : i32
      %and3A_643 = arith.andi %ne3A_639, %ne3A_642 : i1
      %sub3A_644 = arith.constant 1 : i32
      %sub3A_645 = arith.subi %div3A_624, %sub3A_644 : i32
      %select_n3A_646 = arith.select %and3A_643, %sub3A_645, %div3A_624 : i32
      %add3A_647 = arith.constant 0 : i32
      %add3A_648 = arith.addi %mul3A_2, %add3A_647 : i32
      %dma_start3A_649 = arith.constant 4 : i32
      %dma_start3A_650 = arith.constant 0 : i32
      %dma_start3A_651 = arith.constant 0 : i32
      %dma_start3A_652 = tpu.memref_slice %arg6[%dma_start3A_649, %dma_start3A_650, %dma_start3A_651] : memref<10x64x128xf32, #tpu.memory_space<vmem>> -> memref<1x64x128xf32, #tpu.memory_space<vmem>>
      %dma_start3A_653 = tpu.memref_squeeze %dma_start3A_652 : memref<1x64x128xf32, #tpu.memory_space<vmem>> -> memref<64x128xf32, #tpu.memory_space<vmem>>
      %dma_start3A_654 = arith.constant 0 : i32
      %dma_start3A_655 = tpu.memref_slice %arg4[%select_n3A_646, %add3A_648, %dma_start3A_654] : memref<50x4096x128xf32, #tpu.memory_space<hbm>> -> memref<1x64x128xf32, #tpu.memory_space<hbm>>
      %dma_start3A_656 = tpu.memref_squeeze %dma_start3A_655 : memref<1x64x128xf32, #tpu.memory_space<hbm>> -> memref<64x128xf32, #tpu.memory_space<hbm>>
      %dma_start3A_657 = arith.constant 0 : i32
      %dma_start3A_658 = tpu.memref_slice %arg4[%select_n3A_646, %add3A_648, %dma_start3A_657] : memref<50x4096x128xf32, #tpu.memory_space<hbm>> -> memref<1x64x128xf32, #tpu.memory_space<hbm>>
      %dma_start3A_659 = tpu.memref_squeeze %dma_start3A_658 : memref<1x64x128xf32, #tpu.memory_space<hbm>> -> memref<64x128xf32, #tpu.memory_space<hbm>>
      %dma_start3A_660 = arith.constant 0 : i32
      %dma_start3A_661 = arith.constant 0 : i32
      %dma_start3A_662 = tpu.memref_slice %arg6[%dma_start3A_649, %dma_start3A_660, %dma_start3A_661] : memref<10x64x128xf32, #tpu.memory_space<vmem>> -> memref<1x64x128xf32, #tpu.memory_space<vmem>>
      %dma_start3A_663 = tpu.memref_squeeze %dma_start3A_662 : memref<1x64x128xf32, #tpu.memory_space<vmem>> -> memref<64x128xf32, #tpu.memory_space<vmem>>
      tpu.enqueue_dma source(%dma_start3A_663 : memref<64x128xf32, #tpu.memory_space<vmem>>) target(%dma_start3A_659 : memref<64x128xf32, #tpu.memory_space<hbm>>) target_semaphore(%arg21 : memref<!tpu.dma_semaphore, #tpu.memory_space<semaphore_mem>>)
      %add3A_664 = arith.constant 5 : i32
      %add3A_665 = arith.addi %add3A_587, %add3A_664 : i32
      %lt3A_666 = arith.constant 100 : i32
      %lt3A_667 = arith.cmpi slt, %add3A_665, %lt3A_666 : i32
      %convert_element_type3A_668 = arith.extui %lt3A_667 : i1 to i32
      %cond3A_669 = arith.constant 0 : i32
      %cond3A_670 = arith.cmpi ne, %convert_element_type3A_668, %cond3A_669 : i32
      scf.if %cond3A_670 {
        %sub3A_1106 = arith.constant 5 : i32
        %sub3A_1107 = arith.subi %add3A_587, %sub3A_1106 : i32
        %ge3A = arith.constant 0 : i32
        %ge3A_1108 = arith.cmpi sge, %sub3A_1107, %ge3A : i32
        %convert_element_type3A_1109 = arith.extui %ge3A_1108 : i1 to i32
        %cond3A_1110 = arith.constant 0 : i32
        %cond3A_1111 = arith.cmpi ne, %convert_element_type3A_1109, %cond3A_1110 : i32
        scf.if %cond3A_1111 {
          %sub3A_1149 = arith.constant 5 : i32
          %sub3A_1150 = arith.subi %add3A_587, %sub3A_1149 : i32
          %jit3A_1151 = arith.constant 2 : i32
          %div3A_1152 = arith.divsi %sub3A_1150, %jit3A_1151 : i32
          %sign3A_1153 = arith.constant 0 : i32
          %sign3A_1154 = arith.cmpi sgt, %sub3A_1150, %sign3A_1153 : i32
          %sign3A_1155 = arith.extui %sign3A_1154 : i1 to i32
          %sign3A_1156 = arith.constant 0 : i32
          %sign3A_1157 = arith.cmpi slt, %sub3A_1150, %sign3A_1156 : i32
          %sign3A_1158 = arith.extui %sign3A_1157 : i1 to i32
          %sign3A_1159 = arith.subi %sign3A_1155, %sign3A_1158 : i32
          %sign3A_1160 = arith.constant 0 : i32
          %sign3A_1161 = arith.cmpi sgt, %jit3A_1151, %sign3A_1160 : i32
          %sign3A_1162 = arith.extui %sign3A_1161 : i1 to i32
          %sign3A_1163 = arith.constant 0 : i32
          %sign3A_1164 = arith.cmpi slt, %jit3A_1151, %sign3A_1163 : i32
          %sign3A_1165 = arith.extui %sign3A_1164 : i1 to i32
          %sign3A_1166 = arith.subi %sign3A_1162, %sign3A_1165 : i32
          %ne3A_1167 = arith.cmpi ne, %sign3A_1159, %sign3A_1166 : i32
          %rem3A_1168 = arith.remsi %sub3A_1150, %jit3A_1151 : i32
          %ne3A_1169 = arith.constant 0 : i32
          %ne3A_1170 = arith.cmpi ne, %rem3A_1168, %ne3A_1169 : i32
          %and3A_1171 = arith.andi %ne3A_1167, %ne3A_1170 : i1
          %sub3A_1172 = arith.constant 1 : i32
          %sub3A_1173 = arith.subi %div3A_1152, %sub3A_1172 : i32
          %select_n3A_1174 = arith.select %and3A_1171, %sub3A_1173, %div3A_1152 : i32
          %add3A_1175 = arith.constant 64 : i32
          %add3A_1176 = arith.addi %mul3A_2, %add3A_1175 : i32
          %dma_wait3A_1177 = arith.constant 9 : i32
          %dma_wait3A_1178 = arith.constant 0 : i32
          %dma_wait3A_1179 = arith.constant 0 : i32
          %dma_wait3A_1180 = tpu.memref_slice %arg6[%dma_wait3A_1177, %dma_wait3A_1178, %dma_wait3A_1179] : memref<10x64x128xf32, #tpu.memory_space<vmem>> -> memref<1x64x128xf32, #tpu.memory_space<vmem>>
          %dma_wait3A_1181 = tpu.memref_squeeze %dma_wait3A_1180 : memref<1x64x128xf32, #tpu.memory_space<vmem>> -> memref<64x128xf32, #tpu.memory_space<vmem>>
          %dma_wait3A_1182 = arith.constant 0 : i32
          %dma_wait3A_1183 = tpu.memref_slice %arg4[%select_n3A_1174, %add3A_1176, %dma_wait3A_1182] : memref<50x4096x128xf32, #tpu.memory_space<hbm>> -> memref<1x64x128xf32, #tpu.memory_space<hbm>>
          %dma_wait3A_1184 = tpu.memref_squeeze %dma_wait3A_1183 : memref<1x64x128xf32, #tpu.memory_space<hbm>> -> memref<64x128xf32, #tpu.memory_space<hbm>>
          %dma_wait3A_1185 = arith.constant 0 : i32
          %dma_wait3A_1186 = tpu.memref_slice %arg4[%select_n3A_1174, %add3A_1176, %dma_wait3A_1185] : memref<50x4096x128xf32, #tpu.memory_space<hbm>> -> memref<1x64x128xf32, #tpu.memory_space<hbm>>
          %dma_wait3A_1187 = tpu.memref_squeeze %dma_wait3A_1186 : memref<1x64x128xf32, #tpu.memory_space<hbm>> -> memref<64x128xf32, #tpu.memory_space<hbm>>
          %dma_wait3A_1188 = arith.constant 0 : i32
          %dma_wait3A_1189 = arith.constant 0 : i32
          %dma_wait3A_1190 = tpu.memref_slice %arg6[%dma_wait3A_1177, %dma_wait3A_1188, %dma_wait3A_1189] : memref<10x64x128xf32, #tpu.memory_space<vmem>> -> memref<1x64x128xf32, #tpu.memory_space<vmem>>
          %dma_wait3A_1191 = tpu.memref_squeeze %dma_wait3A_1190 : memref<1x64x128xf32, #tpu.memory_space<vmem>> -> memref<64x128xf32, #tpu.memory_space<vmem>>
          tpu.wait_dma2 semaphore(%arg26 : memref<!tpu.dma_semaphore, #tpu.memory_space<semaphore_mem>>) src(%dma_wait3A_1191 : memref<64x128xf32, #tpu.memory_space<vmem>>) dst(%dma_wait3A_1187 : memref<64x128xf32, #tpu.memory_space<hbm>>)
        } else {
        }
        %add3A_1112 = arith.constant 5 : i32
        %add3A_1113 = arith.addi %add3A_587, %add3A_1112 : i32
        %jit3A_1114 = arith.constant 2 : i32
        %div3A_1115 = arith.divsi %add3A_1113, %jit3A_1114 : i32
        %sign3A_1116 = arith.constant 0 : i32
        %sign3A_1117 = arith.cmpi sgt, %add3A_1113, %sign3A_1116 : i32
        %sign3A_1118 = arith.extui %sign3A_1117 : i1 to i32
        %sign3A_1119 = arith.constant 0 : i32
        %sign3A_1120 = arith.cmpi slt, %add3A_1113, %sign3A_1119 : i32
        %sign3A_1121 = arith.extui %sign3A_1120 : i1 to i32
        %sign3A_1122 = arith.subi %sign3A_1118, %sign3A_1121 : i32
        %sign3A_1123 = arith.constant 0 : i32
        %sign3A_1124 = arith.cmpi sgt, %jit3A_1114, %sign3A_1123 : i32
        %sign3A_1125 = arith.extui %sign3A_1124 : i1 to i32
        %sign3A_1126 = arith.constant 0 : i32
        %sign3A_1127 = arith.cmpi slt, %jit3A_1114, %sign3A_1126 : i32
        %sign3A_1128 = arith.extui %sign3A_1127 : i1 to i32
        %sign3A_1129 = arith.subi %sign3A_1125, %sign3A_1128 : i32
        %ne3A_1130 = arith.cmpi ne, %sign3A_1122, %sign3A_1129 : i32
        %rem3A_1131 = arith.remsi %add3A_1113, %jit3A_1114 : i32
        %ne3A_1132 = arith.constant 0 : i32
        %ne3A_1133 = arith.cmpi ne, %rem3A_1131, %ne3A_1132 : i32
        %and3A_1134 = arith.andi %ne3A_1130, %ne3A_1133 : i1
        %sub3A_1135 = arith.constant 1 : i32
        %sub3A_1136 = arith.subi %div3A_1115, %sub3A_1135 : i32
        %select_n3A_1137 = arith.select %and3A_1134, %sub3A_1136, %div3A_1115 : i32
        %dma_start3A_1138 = arith.constant 9 : i32
        %dma_start3A_1139 = arith.constant 0 : i32
        %dma_start3A_1140 = arith.constant 0 : i32
        %dma_start3A_1141 = tpu.memref_slice %arg6[%dma_start3A_1138, %dma_start3A_1139, %dma_start3A_1140] : memref<10x64x128xf32, #tpu.memory_space<vmem>> -> memref<1x64x128xf32, #tpu.memory_space<vmem>>
        %dma_start3A_1142 = tpu.memref_squeeze %dma_start3A_1141 : memref<1x64x128xf32, #tpu.memory_space<vmem>> -> memref<64x128xf32, #tpu.memory_space<vmem>>
        %dma_start3A_1143 = arith.constant 64 : i32
        %dma_start3A_1144 = tpu.memref_slice %arg5[%select_n3A_1137, %dma_start3A_1143] : memref<50x128xi32, #tpu.memory_space<vmem>> -> memref<1x64xi32, #tpu.memory_space<vmem>>
        %dma_start3A_1145 = tpu.memref_squeeze %dma_start3A_1144 : memref<1x64xi32, #tpu.memory_space<vmem>> -> memref<64xi32, #tpu.memory_space<vmem>>
        %dma_start3A_1146 = arith.constant 0 : i32
        %dma_start3A_1147 = arith.constant 0 : i32
        %dma_start3A_1148 = tpu.memref_slice %arg3[%dma_start3A_1146, %dma_start3A_1147] : memref<100000x128xf32, #tpu.memory_space<hbm>> -> memref<100000x128xf32, #tpu.memory_space<hbm>>
        tpu.enqueue_indirect_dma source(%dma_start3A_1148 : memref<100000x128xf32, #tpu.memory_space<hbm>>) target(%dma_start3A_1142 : memref<64x128xf32, #tpu.memory_space<vmem>>) offsets(%dma_start3A_1145 : memref<64xi32, #tpu.memory_space<vmem>>) semaphore(%arg16 : memref<!tpu.dma_semaphore, #tpu.memory_space<semaphore_mem>>)
      } else {
      }
      %mul3A_671 = arith.constant 10 : i32
      %mul3A_672 = arith.muli %mul3A_671, %scan3A_246 : i32
      %add3A_673 = arith.constant 5 : i32
      %add3A_674 = arith.addi %mul3A_672, %add3A_673 : i32
      %jit3A_675 = arith.constant 2 : i32
      %div3A_676 = arith.divsi %add3A_674, %jit3A_675 : i32
      %sign3A_677 = arith.constant 0 : i32
      %sign3A_678 = arith.cmpi sgt, %add3A_674, %sign3A_677 : i32
      %sign3A_679 = arith.extui %sign3A_678 : i1 to i32
      %sign3A_680 = arith.constant 0 : i32
      %sign3A_681 = arith.cmpi slt, %add3A_674, %sign3A_680 : i32
      %sign3A_682 = arith.extui %sign3A_681 : i1 to i32
      %sign3A_683 = arith.subi %sign3A_679, %sign3A_682 : i32
      %sign3A_684 = arith.constant 0 : i32
      %sign3A_685 = arith.cmpi sgt, %jit3A_675, %sign3A_684 : i32
      %sign3A_686 = arith.extui %sign3A_685 : i1 to i32
      %sign3A_687 = arith.constant 0 : i32
      %sign3A_688 = arith.cmpi slt, %jit3A_675, %sign3A_687 : i32
      %sign3A_689 = arith.extui %sign3A_688 : i1 to i32
      %sign3A_690 = arith.subi %sign3A_686, %sign3A_689 : i32
      %ne3A_691 = arith.cmpi ne, %sign3A_683, %sign3A_690 : i32
      %rem3A_692 = arith.remsi %add3A_674, %jit3A_675 : i32
      %ne3A_693 = arith.constant 0 : i32
      %ne3A_694 = arith.cmpi ne, %rem3A_692, %ne3A_693 : i32
      %and3A_695 = arith.andi %ne3A_691, %ne3A_694 : i1
      %sub3A_696 = arith.constant 1 : i32
      %sub3A_697 = arith.subi %div3A_676, %sub3A_696 : i32
      %select_n3A_698 = arith.select %and3A_695, %sub3A_697, %div3A_676 : i32
      %dma_wait3A_699 = arith.constant 5 : i32
      %dma_wait3A_700 = arith.constant 0 : i32
      %dma_wait3A_701 = arith.constant 0 : i32
      %dma_wait3A_702 = tpu.memref_slice %arg6[%dma_wait3A_699, %dma_wait3A_700, %dma_wait3A_701] : memref<10x64x128xf32, #tpu.memory_space<vmem>> -> memref<1x64x128xf32, #tpu.memory_space<vmem>>
      %dma_wait3A_703 = tpu.memref_squeeze %dma_wait3A_702 : memref<1x64x128xf32, #tpu.memory_space<vmem>> -> memref<64x128xf32, #tpu.memory_space<vmem>>
      %dma_wait3A_704 = arith.constant 64 : i32
      %dma_wait3A_705 = tpu.memref_slice %arg5[%select_n3A_698, %dma_wait3A_704] : memref<50x128xi32, #tpu.memory_space<vmem>> -> memref<1x64xi32, #tpu.memory_space<vmem>>
      %dma_wait3A_706 = tpu.memref_squeeze %dma_wait3A_705 : memref<1x64xi32, #tpu.memory_space<vmem>> -> memref<64xi32, #tpu.memory_space<vmem>>
      %dma_wait3A_707 = arith.constant 0 : i32
      %dma_wait3A_708 = arith.constant 0 : i32
      %dma_wait3A_709 = tpu.memref_slice %arg3[%dma_wait3A_707, %dma_wait3A_708] : memref<100000x128xf32, #tpu.memory_space<hbm>> -> memref<100000x128xf32, #tpu.memory_space<hbm>>
      tpu.wait_indirect_dma semaphore(%arg12 : memref<!tpu.dma_semaphore, #tpu.memory_space<semaphore_mem>>) src(%dma_wait3A_709 : memref<100000x128xf32, #tpu.memory_space<hbm>>) dst(%dma_wait3A_703 : memref<64x128xf32, #tpu.memory_space<vmem>>)
      %jit3A_710 = arith.constant 2 : i32
      %div3A_711 = arith.divsi %add3A_674, %jit3A_710 : i32
      %sign3A_712 = arith.constant 0 : i32
      %sign3A_713 = arith.cmpi sgt, %add3A_674, %sign3A_712 : i32
      %sign3A_714 = arith.extui %sign3A_713 : i1 to i32
      %sign3A_715 = arith.constant 0 : i32
      %sign3A_716 = arith.cmpi slt, %add3A_674, %sign3A_715 : i32
      %sign3A_717 = arith.extui %sign3A_716 : i1 to i32
      %sign3A_718 = arith.subi %sign3A_714, %sign3A_717 : i32
      %sign3A_719 = arith.constant 0 : i32
      %sign3A_720 = arith.cmpi sgt, %jit3A_710, %sign3A_719 : i32
      %sign3A_721 = arith.extui %sign3A_720 : i1 to i32
      %sign3A_722 = arith.constant 0 : i32
      %sign3A_723 = arith.cmpi slt, %jit3A_710, %sign3A_722 : i32
      %sign3A_724 = arith.extui %sign3A_723 : i1 to i32
      %sign3A_725 = arith.subi %sign3A_721, %sign3A_724 : i32
      %ne3A_726 = arith.cmpi ne, %sign3A_718, %sign3A_725 : i32
      %rem3A_727 = arith.remsi %add3A_674, %jit3A_710 : i32
      %ne3A_728 = arith.constant 0 : i32
      %ne3A_729 = arith.cmpi ne, %rem3A_727, %ne3A_728 : i32
      %and3A_730 = arith.andi %ne3A_726, %ne3A_729 : i1
      %sub3A_731 = arith.constant 1 : i32
      %sub3A_732 = arith.subi %div3A_711, %sub3A_731 : i32
      %select_n3A_733 = arith.select %and3A_730, %sub3A_732, %div3A_711 : i32
      %add3A_734 = arith.constant 64 : i32
      %add3A_735 = arith.addi %mul3A_2, %add3A_734 : i32
      %dma_start3A_736 = arith.constant 5 : i32
      %dma_start3A_737 = arith.constant 0 : i32
      %dma_start3A_738 = arith.constant 0 : i32
      %dma_start3A_739 = tpu.memref_slice %arg6[%dma_start3A_736, %dma_start3A_737, %dma_start3A_738] : memref<10x64x128xf32, #tpu.memory_space<vmem>> -> memref<1x64x128xf32, #tpu.memory_space<vmem>>
      %dma_start3A_740 = tpu.memref_squeeze %dma_start3A_739 : memref<1x64x128xf32, #tpu.memory_space<vmem>> -> memref<64x128xf32, #tpu.memory_space<vmem>>
      %dma_start3A_741 = arith.constant 0 : i32
      %dma_start3A_742 = tpu.memref_slice %arg4[%select_n3A_733, %add3A_735, %dma_start3A_741] : memref<50x4096x128xf32, #tpu.memory_space<hbm>> -> memref<1x64x128xf32, #tpu.memory_space<hbm>>
      %dma_start3A_743 = tpu.memref_squeeze %dma_start3A_742 : memref<1x64x128xf32, #tpu.memory_space<hbm>> -> memref<64x128xf32, #tpu.memory_space<hbm>>
      %dma_start3A_744 = arith.constant 0 : i32
      %dma_start3A_745 = tpu.memref_slice %arg4[%select_n3A_733, %add3A_735, %dma_start3A_744] : memref<50x4096x128xf32, #tpu.memory_space<hbm>> -> memref<1x64x128xf32, #tpu.memory_space<hbm>>
      %dma_start3A_746 = tpu.memref_squeeze %dma_start3A_745 : memref<1x64x128xf32, #tpu.memory_space<hbm>> -> memref<64x128xf32, #tpu.memory_space<hbm>>
      %dma_start3A_747 = arith.constant 0 : i32
      %dma_start3A_748 = arith.constant 0 : i32
      %dma_start3A_749 = tpu.memref_slice %arg6[%dma_start3A_736, %dma_start3A_747, %dma_start3A_748] : memref<10x64x128xf32, #tpu.memory_space<vmem>> -> memref<1x64x128xf32, #tpu.memory_space<vmem>>
      %dma_start3A_750 = tpu.memref_squeeze %dma_start3A_749 : memref<1x64x128xf32, #tpu.memory_space<vmem>> -> memref<64x128xf32, #tpu.memory_space<vmem>>
      tpu.enqueue_dma source(%dma_start3A_750 : memref<64x128xf32, #tpu.memory_space<vmem>>) target(%dma_start3A_746 : memref<64x128xf32, #tpu.memory_space<hbm>>) target_semaphore(%arg22 : memref<!tpu.dma_semaphore, #tpu.memory_space<semaphore_mem>>)
      %add3A_751 = arith.constant 5 : i32
      %add3A_752 = arith.addi %add3A_674, %add3A_751 : i32
      %lt3A_753 = arith.constant 100 : i32
      %lt3A_754 = arith.cmpi slt, %add3A_752, %lt3A_753 : i32
      %convert_element_type3A_755 = arith.extui %lt3A_754 : i1 to i32
      %cond3A_756 = arith.constant 0 : i32
      %cond3A_757 = arith.cmpi ne, %convert_element_type3A_755, %cond3A_756 : i32
      scf.if %cond3A_757 {
        %sub3A_1106 = arith.constant 5 : i32
        %sub3A_1107 = arith.subi %add3A_674, %sub3A_1106 : i32
        %ge3A = arith.constant 0 : i32
        %ge3A_1108 = arith.cmpi sge, %sub3A_1107, %ge3A : i32
        %convert_element_type3A_1109 = arith.extui %ge3A_1108 : i1 to i32
        %cond3A_1110 = arith.constant 0 : i32
        %cond3A_1111 = arith.cmpi ne, %convert_element_type3A_1109, %cond3A_1110 : i32
        scf.if %cond3A_1111 {
          %sub3A_1149 = arith.constant 5 : i32
          %sub3A_1150 = arith.subi %add3A_674, %sub3A_1149 : i32
          %jit3A_1151 = arith.constant 2 : i32
          %div3A_1152 = arith.divsi %sub3A_1150, %jit3A_1151 : i32
          %sign3A_1153 = arith.constant 0 : i32
          %sign3A_1154 = arith.cmpi sgt, %sub3A_1150, %sign3A_1153 : i32
          %sign3A_1155 = arith.extui %sign3A_1154 : i1 to i32
          %sign3A_1156 = arith.constant 0 : i32
          %sign3A_1157 = arith.cmpi slt, %sub3A_1150, %sign3A_1156 : i32
          %sign3A_1158 = arith.extui %sign3A_1157 : i1 to i32
          %sign3A_1159 = arith.subi %sign3A_1155, %sign3A_1158 : i32
          %sign3A_1160 = arith.constant 0 : i32
          %sign3A_1161 = arith.cmpi sgt, %jit3A_1151, %sign3A_1160 : i32
          %sign3A_1162 = arith.extui %sign3A_1161 : i1 to i32
          %sign3A_1163 = arith.constant 0 : i32
          %sign3A_1164 = arith.cmpi slt, %jit3A_1151, %sign3A_1163 : i32
          %sign3A_1165 = arith.extui %sign3A_1164 : i1 to i32
          %sign3A_1166 = arith.subi %sign3A_1162, %sign3A_1165 : i32
          %ne3A_1167 = arith.cmpi ne, %sign3A_1159, %sign3A_1166 : i32
          %rem3A_1168 = arith.remsi %sub3A_1150, %jit3A_1151 : i32
          %ne3A_1169 = arith.constant 0 : i32
          %ne3A_1170 = arith.cmpi ne, %rem3A_1168, %ne3A_1169 : i32
          %and3A_1171 = arith.andi %ne3A_1167, %ne3A_1170 : i1
          %sub3A_1172 = arith.constant 1 : i32
          %sub3A_1173 = arith.subi %div3A_1152, %sub3A_1172 : i32
          %select_n3A_1174 = arith.select %and3A_1171, %sub3A_1173, %div3A_1152 : i32
          %add3A_1175 = arith.constant 0 : i32
          %add3A_1176 = arith.addi %mul3A_2, %add3A_1175 : i32
          %dma_wait3A_1177 = arith.constant 0 : i32
          %dma_wait3A_1178 = arith.constant 0 : i32
          %dma_wait3A_1179 = arith.constant 0 : i32
          %dma_wait3A_1180 = tpu.memref_slice %arg6[%dma_wait3A_1177, %dma_wait3A_1178, %dma_wait3A_1179] : memref<10x64x128xf32, #tpu.memory_space<vmem>> -> memref<1x64x128xf32, #tpu.memory_space<vmem>>
          %dma_wait3A_1181 = tpu.memref_squeeze %dma_wait3A_1180 : memref<1x64x128xf32, #tpu.memory_space<vmem>> -> memref<64x128xf32, #tpu.memory_space<vmem>>
          %dma_wait3A_1182 = arith.constant 0 : i32
          %dma_wait3A_1183 = tpu.memref_slice %arg4[%select_n3A_1174, %add3A_1176, %dma_wait3A_1182] : memref<50x4096x128xf32, #tpu.memory_space<hbm>> -> memref<1x64x128xf32, #tpu.memory_space<hbm>>
          %dma_wait3A_1184 = tpu.memref_squeeze %dma_wait3A_1183 : memref<1x64x128xf32, #tpu.memory_space<hbm>> -> memref<64x128xf32, #tpu.memory_space<hbm>>
          %dma_wait3A_1185 = arith.constant 0 : i32
          %dma_wait3A_1186 = tpu.memref_slice %arg4[%select_n3A_1174, %add3A_1176, %dma_wait3A_1185] : memref<50x4096x128xf32, #tpu.memory_space<hbm>> -> memref<1x64x128xf32, #tpu.memory_space<hbm>>
          %dma_wait3A_1187 = tpu.memref_squeeze %dma_wait3A_1186 : memref<1x64x128xf32, #tpu.memory_space<hbm>> -> memref<64x128xf32, #tpu.memory_space<hbm>>
          %dma_wait3A_1188 = arith.constant 0 : i32
          %dma_wait3A_1189 = arith.constant 0 : i32
          %dma_wait3A_1190 = tpu.memref_slice %arg6[%dma_wait3A_1177, %dma_wait3A_1188, %dma_wait3A_1189] : memref<10x64x128xf32, #tpu.memory_space<vmem>> -> memref<1x64x128xf32, #tpu.memory_space<vmem>>
          %dma_wait3A_1191 = tpu.memref_squeeze %dma_wait3A_1190 : memref<1x64x128xf32, #tpu.memory_space<vmem>> -> memref<64x128xf32, #tpu.memory_space<vmem>>
          tpu.wait_dma2 semaphore(%arg17 : memref<!tpu.dma_semaphore, #tpu.memory_space<semaphore_mem>>) src(%dma_wait3A_1191 : memref<64x128xf32, #tpu.memory_space<vmem>>) dst(%dma_wait3A_1187 : memref<64x128xf32, #tpu.memory_space<hbm>>)
        } else {
        }
        %add3A_1112 = arith.constant 5 : i32
        %add3A_1113 = arith.addi %add3A_674, %add3A_1112 : i32
        %jit3A_1114 = arith.constant 2 : i32
        %div3A_1115 = arith.divsi %add3A_1113, %jit3A_1114 : i32
        %sign3A_1116 = arith.constant 0 : i32
        %sign3A_1117 = arith.cmpi sgt, %add3A_1113, %sign3A_1116 : i32
        %sign3A_1118 = arith.extui %sign3A_1117 : i1 to i32
        %sign3A_1119 = arith.constant 0 : i32
        %sign3A_1120 = arith.cmpi slt, %add3A_1113, %sign3A_1119 : i32
        %sign3A_1121 = arith.extui %sign3A_1120 : i1 to i32
        %sign3A_1122 = arith.subi %sign3A_1118, %sign3A_1121 : i32
        %sign3A_1123 = arith.constant 0 : i32
        %sign3A_1124 = arith.cmpi sgt, %jit3A_1114, %sign3A_1123 : i32
        %sign3A_1125 = arith.extui %sign3A_1124 : i1 to i32
        %sign3A_1126 = arith.constant 0 : i32
        %sign3A_1127 = arith.cmpi slt, %jit3A_1114, %sign3A_1126 : i32
        %sign3A_1128 = arith.extui %sign3A_1127 : i1 to i32
        %sign3A_1129 = arith.subi %sign3A_1125, %sign3A_1128 : i32
        %ne3A_1130 = arith.cmpi ne, %sign3A_1122, %sign3A_1129 : i32
        %rem3A_1131 = arith.remsi %add3A_1113, %jit3A_1114 : i32
        %ne3A_1132 = arith.constant 0 : i32
        %ne3A_1133 = arith.cmpi ne, %rem3A_1131, %ne3A_1132 : i32
        %and3A_1134 = arith.andi %ne3A_1130, %ne3A_1133 : i1
        %sub3A_1135 = arith.constant 1 : i32
        %sub3A_1136 = arith.subi %div3A_1115, %sub3A_1135 : i32
        %select_n3A_1137 = arith.select %and3A_1134, %sub3A_1136, %div3A_1115 : i32
        %dma_start3A_1138 = arith.constant 0 : i32
        %dma_start3A_1139 = arith.constant 0 : i32
        %dma_start3A_1140 = arith.constant 0 : i32
        %dma_start3A_1141 = tpu.memref_slice %arg6[%dma_start3A_1138, %dma_start3A_1139, %dma_start3A_1140] : memref<10x64x128xf32, #tpu.memory_space<vmem>> -> memref<1x64x128xf32, #tpu.memory_space<vmem>>
        %dma_start3A_1142 = tpu.memref_squeeze %dma_start3A_1141 : memref<1x64x128xf32, #tpu.memory_space<vmem>> -> memref<64x128xf32, #tpu.memory_space<vmem>>
        %dma_start3A_1143 = arith.constant 0 : i32
        %dma_start3A_1144 = tpu.memref_slice %arg5[%select_n3A_1137, %dma_start3A_1143] : memref<50x128xi32, #tpu.memory_space<vmem>> -> memref<1x64xi32, #tpu.memory_space<vmem>>
        %dma_start3A_1145 = tpu.memref_squeeze %dma_start3A_1144 : memref<1x64xi32, #tpu.memory_space<vmem>> -> memref<64xi32, #tpu.memory_space<vmem>>
        %dma_start3A_1146 = arith.constant 0 : i32
        %dma_start3A_1147 = arith.constant 0 : i32
        %dma_start3A_1148 = tpu.memref_slice %arg3[%dma_start3A_1146, %dma_start3A_1147] : memref<100000x128xf32, #tpu.memory_space<hbm>> -> memref<100000x128xf32, #tpu.memory_space<hbm>>
        tpu.enqueue_indirect_dma source(%dma_start3A_1148 : memref<100000x128xf32, #tpu.memory_space<hbm>>) target(%dma_start3A_1142 : memref<64x128xf32, #tpu.memory_space<vmem>>) offsets(%dma_start3A_1145 : memref<64xi32, #tpu.memory_space<vmem>>) semaphore(%arg7 : memref<!tpu.dma_semaphore, #tpu.memory_space<semaphore_mem>>)
      } else {
      }
      %mul3A_758 = arith.constant 10 : i32
      %mul3A_759 = arith.muli %mul3A_758, %scan3A_246 : i32
      %add3A_760 = arith.constant 6 : i32
      %add3A_761 = arith.addi %mul3A_759, %add3A_760 : i32
      %jit3A_762 = arith.constant 2 : i32
      %div3A_763 = arith.divsi %add3A_761, %jit3A_762 : i32
      %sign3A_764 = arith.constant 0 : i32
      %sign3A_765 = arith.cmpi sgt, %add3A_761, %sign3A_764 : i32
      %sign3A_766 = arith.extui %sign3A_765 : i1 to i32
      %sign3A_767 = arith.constant 0 : i32
      %sign3A_768 = arith.cmpi slt, %add3A_761, %sign3A_767 : i32
      %sign3A_769 = arith.extui %sign3A_768 : i1 to i32
      %sign3A_770 = arith.subi %sign3A_766, %sign3A_769 : i32
      %sign3A_771 = arith.constant 0 : i32
      %sign3A_772 = arith.cmpi sgt, %jit3A_762, %sign3A_771 : i32
      %sign3A_773 = arith.extui %sign3A_772 : i1 to i32
      %sign3A_774 = arith.constant 0 : i32
      %sign3A_775 = arith.cmpi slt, %jit3A_762, %sign3A_774 : i32
      %sign3A_776 = arith.extui %sign3A_775 : i1 to i32
      %sign3A_777 = arith.subi %sign3A_773, %sign3A_776 : i32
      %ne3A_778 = arith.cmpi ne, %sign3A_770, %sign3A_777 : i32
      %rem3A_779 = arith.remsi %add3A_761, %jit3A_762 : i32
      %ne3A_780 = arith.constant 0 : i32
      %ne3A_781 = arith.cmpi ne, %rem3A_779, %ne3A_780 : i32
      %and3A_782 = arith.andi %ne3A_778, %ne3A_781 : i1
      %sub3A_783 = arith.constant 1 : i32
      %sub3A_784 = arith.subi %div3A_763, %sub3A_783 : i32
      %select_n3A_785 = arith.select %and3A_782, %sub3A_784, %div3A_763 : i32
      %dma_wait3A_786 = arith.constant 6 : i32
      %dma_wait3A_787 = arith.constant 0 : i32
      %dma_wait3A_788 = arith.constant 0 : i32
      %dma_wait3A_789 = tpu.memref_slice %arg6[%dma_wait3A_786, %dma_wait3A_787, %dma_wait3A_788] : memref<10x64x128xf32, #tpu.memory_space<vmem>> -> memref<1x64x128xf32, #tpu.memory_space<vmem>>
      %dma_wait3A_790 = tpu.memref_squeeze %dma_wait3A_789 : memref<1x64x128xf32, #tpu.memory_space<vmem>> -> memref<64x128xf32, #tpu.memory_space<vmem>>
      %dma_wait3A_791 = arith.constant 0 : i32
      %dma_wait3A_792 = tpu.memref_slice %arg5[%select_n3A_785, %dma_wait3A_791] : memref<50x128xi32, #tpu.memory_space<vmem>> -> memref<1x64xi32, #tpu.memory_space<vmem>>
      %dma_wait3A_793 = tpu.memref_squeeze %dma_wait3A_792 : memref<1x64xi32, #tpu.memory_space<vmem>> -> memref<64xi32, #tpu.memory_space<vmem>>
      %dma_wait3A_794 = arith.constant 0 : i32
      %dma_wait3A_795 = arith.constant 0 : i32
      %dma_wait3A_796 = tpu.memref_slice %arg3[%dma_wait3A_794, %dma_wait3A_795] : memref<100000x128xf32, #tpu.memory_space<hbm>> -> memref<100000x128xf32, #tpu.memory_space<hbm>>
      tpu.wait_indirect_dma semaphore(%arg13 : memref<!tpu.dma_semaphore, #tpu.memory_space<semaphore_mem>>) src(%dma_wait3A_796 : memref<100000x128xf32, #tpu.memory_space<hbm>>) dst(%dma_wait3A_790 : memref<64x128xf32, #tpu.memory_space<vmem>>)
      %jit3A_797 = arith.constant 2 : i32
      %div3A_798 = arith.divsi %add3A_761, %jit3A_797 : i32
      %sign3A_799 = arith.constant 0 : i32
      %sign3A_800 = arith.cmpi sgt, %add3A_761, %sign3A_799 : i32
      %sign3A_801 = arith.extui %sign3A_800 : i1 to i32
      %sign3A_802 = arith.constant 0 : i32
      %sign3A_803 = arith.cmpi slt, %add3A_761, %sign3A_802 : i32
      %sign3A_804 = arith.extui %sign3A_803 : i1 to i32
      %sign3A_805 = arith.subi %sign3A_801, %sign3A_804 : i32
      %sign3A_806 = arith.constant 0 : i32
      %sign3A_807 = arith.cmpi sgt, %jit3A_797, %sign3A_806 : i32
      %sign3A_808 = arith.extui %sign3A_807 : i1 to i32
      %sign3A_809 = arith.constant 0 : i32
      %sign3A_810 = arith.cmpi slt, %jit3A_797, %sign3A_809 : i32
      %sign3A_811 = arith.extui %sign3A_810 : i1 to i32
      %sign3A_812 = arith.subi %sign3A_808, %sign3A_811 : i32
      %ne3A_813 = arith.cmpi ne, %sign3A_805, %sign3A_812 : i32
      %rem3A_814 = arith.remsi %add3A_761, %jit3A_797 : i32
      %ne3A_815 = arith.constant 0 : i32
      %ne3A_816 = arith.cmpi ne, %rem3A_814, %ne3A_815 : i32
      %and3A_817 = arith.andi %ne3A_813, %ne3A_816 : i1
      %sub3A_818 = arith.constant 1 : i32
      %sub3A_819 = arith.subi %div3A_798, %sub3A_818 : i32
      %select_n3A_820 = arith.select %and3A_817, %sub3A_819, %div3A_798 : i32
      %add3A_821 = arith.constant 0 : i32
      %add3A_822 = arith.addi %mul3A_2, %add3A_821 : i32
      %dma_start3A_823 = arith.constant 6 : i32
      %dma_start3A_824 = arith.constant 0 : i32
      %dma_start3A_825 = arith.constant 0 : i32
      %dma_start3A_826 = tpu.memref_slice %arg6[%dma_start3A_823, %dma_start3A_824, %dma_start3A_825] : memref<10x64x128xf32, #tpu.memory_space<vmem>> -> memref<1x64x128xf32, #tpu.memory_space<vmem>>
      %dma_start3A_827 = tpu.memref_squeeze %dma_start3A_826 : memref<1x64x128xf32, #tpu.memory_space<vmem>> -> memref<64x128xf32, #tpu.memory_space<vmem>>
      %dma_start3A_828 = arith.constant 0 : i32
      %dma_start3A_829 = tpu.memref_slice %arg4[%select_n3A_820, %add3A_822, %dma_start3A_828] : memref<50x4096x128xf32, #tpu.memory_space<hbm>> -> memref<1x64x128xf32, #tpu.memory_space<hbm>>
      %dma_start3A_830 = tpu.memref_squeeze %dma_start3A_829 : memref<1x64x128xf32, #tpu.memory_space<hbm>> -> memref<64x128xf32, #tpu.memory_space<hbm>>
      %dma_start3A_831 = arith.constant 0 : i32
      %dma_start3A_832 = tpu.memref_slice %arg4[%select_n3A_820, %add3A_822, %dma_start3A_831] : memref<50x4096x128xf32, #tpu.memory_space<hbm>> -> memref<1x64x128xf32, #tpu.memory_space<hbm>>
      %dma_start3A_833 = tpu.memref_squeeze %dma_start3A_832 : memref<1x64x128xf32, #tpu.memory_space<hbm>> -> memref<64x128xf32, #tpu.memory_space<hbm>>
      %dma_start3A_834 = arith.constant 0 : i32
      %dma_start3A_835 = arith.constant 0 : i32
      %dma_start3A_836 = tpu.memref_slice %arg6[%dma_start3A_823, %dma_start3A_834, %dma_start3A_835] : memref<10x64x128xf32, #tpu.memory_space<vmem>> -> memref<1x64x128xf32, #tpu.memory_space<vmem>>
      %dma_start3A_837 = tpu.memref_squeeze %dma_start3A_836 : memref<1x64x128xf32, #tpu.memory_space<vmem>> -> memref<64x128xf32, #tpu.memory_space<vmem>>
      tpu.enqueue_dma source(%dma_start3A_837 : memref<64x128xf32, #tpu.memory_space<vmem>>) target(%dma_start3A_833 : memref<64x128xf32, #tpu.memory_space<hbm>>) target_semaphore(%arg23 : memref<!tpu.dma_semaphore, #tpu.memory_space<semaphore_mem>>)
      %add3A_838 = arith.constant 5 : i32
      %add3A_839 = arith.addi %add3A_761, %add3A_838 : i32
      %lt3A_840 = arith.constant 100 : i32
      %lt3A_841 = arith.cmpi slt, %add3A_839, %lt3A_840 : i32
      %convert_element_type3A_842 = arith.extui %lt3A_841 : i1 to i32
      %cond3A_843 = arith.constant 0 : i32
      %cond3A_844 = arith.cmpi ne, %convert_element_type3A_842, %cond3A_843 : i32
      scf.if %cond3A_844 {
        %sub3A_1106 = arith.constant 5 : i32
        %sub3A_1107 = arith.subi %add3A_761, %sub3A_1106 : i32
        %ge3A = arith.constant 0 : i32
        %ge3A_1108 = arith.cmpi sge, %sub3A_1107, %ge3A : i32
        %convert_element_type3A_1109 = arith.extui %ge3A_1108 : i1 to i32
        %cond3A_1110 = arith.constant 0 : i32
        %cond3A_1111 = arith.cmpi ne, %convert_element_type3A_1109, %cond3A_1110 : i32
        scf.if %cond3A_1111 {
          %sub3A_1149 = arith.constant 5 : i32
          %sub3A_1150 = arith.subi %add3A_761, %sub3A_1149 : i32
          %jit3A_1151 = arith.constant 2 : i32
          %div3A_1152 = arith.divsi %sub3A_1150, %jit3A_1151 : i32
          %sign3A_1153 = arith.constant 0 : i32
          %sign3A_1154 = arith.cmpi sgt, %sub3A_1150, %sign3A_1153 : i32
          %sign3A_1155 = arith.extui %sign3A_1154 : i1 to i32
          %sign3A_1156 = arith.constant 0 : i32
          %sign3A_1157 = arith.cmpi slt, %sub3A_1150, %sign3A_1156 : i32
          %sign3A_1158 = arith.extui %sign3A_1157 : i1 to i32
          %sign3A_1159 = arith.subi %sign3A_1155, %sign3A_1158 : i32
          %sign3A_1160 = arith.constant 0 : i32
          %sign3A_1161 = arith.cmpi sgt, %jit3A_1151, %sign3A_1160 : i32
          %sign3A_1162 = arith.extui %sign3A_1161 : i1 to i32
          %sign3A_1163 = arith.constant 0 : i32
          %sign3A_1164 = arith.cmpi slt, %jit3A_1151, %sign3A_1163 : i32
          %sign3A_1165 = arith.extui %sign3A_1164 : i1 to i32
          %sign3A_1166 = arith.subi %sign3A_1162, %sign3A_1165 : i32
          %ne3A_1167 = arith.cmpi ne, %sign3A_1159, %sign3A_1166 : i32
          %rem3A_1168 = arith.remsi %sub3A_1150, %jit3A_1151 : i32
          %ne3A_1169 = arith.constant 0 : i32
          %ne3A_1170 = arith.cmpi ne, %rem3A_1168, %ne3A_1169 : i32
          %and3A_1171 = arith.andi %ne3A_1167, %ne3A_1170 : i1
          %sub3A_1172 = arith.constant 1 : i32
          %sub3A_1173 = arith.subi %div3A_1152, %sub3A_1172 : i32
          %select_n3A_1174 = arith.select %and3A_1171, %sub3A_1173, %div3A_1152 : i32
          %add3A_1175 = arith.constant 64 : i32
          %add3A_1176 = arith.addi %mul3A_2, %add3A_1175 : i32
          %dma_wait3A_1177 = arith.constant 1 : i32
          %dma_wait3A_1178 = arith.constant 0 : i32
          %dma_wait3A_1179 = arith.constant 0 : i32
          %dma_wait3A_1180 = tpu.memref_slice %arg6[%dma_wait3A_1177, %dma_wait3A_1178, %dma_wait3A_1179] : memref<10x64x128xf32, #tpu.memory_space<vmem>> -> memref<1x64x128xf32, #tpu.memory_space<vmem>>
          %dma_wait3A_1181 = tpu.memref_squeeze %dma_wait3A_1180 : memref<1x64x128xf32, #tpu.memory_space<vmem>> -> memref<64x128xf32, #tpu.memory_space<vmem>>
          %dma_wait3A_1182 = arith.constant 0 : i32
          %dma_wait3A_1183 = tpu.memref_slice %arg4[%select_n3A_1174, %add3A_1176, %dma_wait3A_1182] : memref<50x4096x128xf32, #tpu.memory_space<hbm>> -> memref<1x64x128xf32, #tpu.memory_space<hbm>>
          %dma_wait3A_1184 = tpu.memref_squeeze %dma_wait3A_1183 : memref<1x64x128xf32, #tpu.memory_space<hbm>> -> memref<64x128xf32, #tpu.memory_space<hbm>>
          %dma_wait3A_1185 = arith.constant 0 : i32
          %dma_wait3A_1186 = tpu.memref_slice %arg4[%select_n3A_1174, %add3A_1176, %dma_wait3A_1185] : memref<50x4096x128xf32, #tpu.memory_space<hbm>> -> memref<1x64x128xf32, #tpu.memory_space<hbm>>
          %dma_wait3A_1187 = tpu.memref_squeeze %dma_wait3A_1186 : memref<1x64x128xf32, #tpu.memory_space<hbm>> -> memref<64x128xf32, #tpu.memory_space<hbm>>
          %dma_wait3A_1188 = arith.constant 0 : i32
          %dma_wait3A_1189 = arith.constant 0 : i32
          %dma_wait3A_1190 = tpu.memref_slice %arg6[%dma_wait3A_1177, %dma_wait3A_1188, %dma_wait3A_1189] : memref<10x64x128xf32, #tpu.memory_space<vmem>> -> memref<1x64x128xf32, #tpu.memory_space<vmem>>
          %dma_wait3A_1191 = tpu.memref_squeeze %dma_wait3A_1190 : memref<1x64x128xf32, #tpu.memory_space<vmem>> -> memref<64x128xf32, #tpu.memory_space<vmem>>
          tpu.wait_dma2 semaphore(%arg18 : memref<!tpu.dma_semaphore, #tpu.memory_space<semaphore_mem>>) src(%dma_wait3A_1191 : memref<64x128xf32, #tpu.memory_space<vmem>>) dst(%dma_wait3A_1187 : memref<64x128xf32, #tpu.memory_space<hbm>>)
        } else {
        }
        %add3A_1112 = arith.constant 5 : i32
        %add3A_1113 = arith.addi %add3A_761, %add3A_1112 : i32
        %jit3A_1114 = arith.constant 2 : i32
        %div3A_1115 = arith.divsi %add3A_1113, %jit3A_1114 : i32
        %sign3A_1116 = arith.constant 0 : i32
        %sign3A_1117 = arith.cmpi sgt, %add3A_1113, %sign3A_1116 : i32
        %sign3A_1118 = arith.extui %sign3A_1117 : i1 to i32
        %sign3A_1119 = arith.constant 0 : i32
        %sign3A_1120 = arith.cmpi slt, %add3A_1113, %sign3A_1119 : i32
        %sign3A_1121 = arith.extui %sign3A_1120 : i1 to i32
        %sign3A_1122 = arith.subi %sign3A_1118, %sign3A_1121 : i32
        %sign3A_1123 = arith.constant 0 : i32
        %sign3A_1124 = arith.cmpi sgt, %jit3A_1114, %sign3A_1123 : i32
        %sign3A_1125 = arith.extui %sign3A_1124 : i1 to i32
        %sign3A_1126 = arith.constant 0 : i32
        %sign3A_1127 = arith.cmpi slt, %jit3A_1114, %sign3A_1126 : i32
        %sign3A_1128 = arith.extui %sign3A_1127 : i1 to i32
        %sign3A_1129 = arith.subi %sign3A_1125, %sign3A_1128 : i32
        %ne3A_1130 = arith.cmpi ne, %sign3A_1122, %sign3A_1129 : i32
        %rem3A_1131 = arith.remsi %add3A_1113, %jit3A_1114 : i32
        %ne3A_1132 = arith.constant 0 : i32
        %ne3A_1133 = arith.cmpi ne, %rem3A_1131, %ne3A_1132 : i32
        %and3A_1134 = arith.andi %ne3A_1130, %ne3A_1133 : i1
        %sub3A_1135 = arith.constant 1 : i32
        %sub3A_1136 = arith.subi %div3A_1115, %sub3A_1135 : i32
        %select_n3A_1137 = arith.select %and3A_1134, %sub3A_1136, %div3A_1115 : i32
        %dma_start3A_1138 = arith.constant 1 : i32
        %dma_start3A_1139 = arith.constant 0 : i32
        %dma_start3A_1140 = arith.constant 0 : i32
        %dma_start3A_1141 = tpu.memref_slice %arg6[%dma_start3A_1138, %dma_start3A_1139, %dma_start3A_1140] : memref<10x64x128xf32, #tpu.memory_space<vmem>> -> memref<1x64x128xf32, #tpu.memory_space<vmem>>
        %dma_start3A_1142 = tpu.memref_squeeze %dma_start3A_1141 : memref<1x64x128xf32, #tpu.memory_space<vmem>> -> memref<64x128xf32, #tpu.memory_space<vmem>>
        %dma_start3A_1143 = arith.constant 64 : i32
        %dma_start3A_1144 = tpu.memref_slice %arg5[%select_n3A_1137, %dma_start3A_1143] : memref<50x128xi32, #tpu.memory_space<vmem>> -> memref<1x64xi32, #tpu.memory_space<vmem>>
        %dma_start3A_1145 = tpu.memref_squeeze %dma_start3A_1144 : memref<1x64xi32, #tpu.memory_space<vmem>> -> memref<64xi32, #tpu.memory_space<vmem>>
        %dma_start3A_1146 = arith.constant 0 : i32
        %dma_start3A_1147 = arith.constant 0 : i32
        %dma_start3A_1148 = tpu.memref_slice %arg3[%dma_start3A_1146, %dma_start3A_1147] : memref<100000x128xf32, #tpu.memory_space<hbm>> -> memref<100000x128xf32, #tpu.memory_space<hbm>>
        tpu.enqueue_indirect_dma source(%dma_start3A_1148 : memref<100000x128xf32, #tpu.memory_space<hbm>>) target(%dma_start3A_1142 : memref<64x128xf32, #tpu.memory_space<vmem>>) offsets(%dma_start3A_1145 : memref<64xi32, #tpu.memory_space<vmem>>) semaphore(%arg8 : memref<!tpu.dma_semaphore, #tpu.memory_space<semaphore_mem>>)
      } else {
      }
      %mul3A_845 = arith.constant 10 : i32
      %mul3A_846 = arith.muli %mul3A_845, %scan3A_246 : i32
      %add3A_847 = arith.constant 7 : i32
      %add3A_848 = arith.addi %mul3A_846, %add3A_847 : i32
      %jit3A_849 = arith.constant 2 : i32
      %div3A_850 = arith.divsi %add3A_848, %jit3A_849 : i32
      %sign3A_851 = arith.constant 0 : i32
      %sign3A_852 = arith.cmpi sgt, %add3A_848, %sign3A_851 : i32
      %sign3A_853 = arith.extui %sign3A_852 : i1 to i32
      %sign3A_854 = arith.constant 0 : i32
      %sign3A_855 = arith.cmpi slt, %add3A_848, %sign3A_854 : i32
      %sign3A_856 = arith.extui %sign3A_855 : i1 to i32
      %sign3A_857 = arith.subi %sign3A_853, %sign3A_856 : i32
      %sign3A_858 = arith.constant 0 : i32
      %sign3A_859 = arith.cmpi sgt, %jit3A_849, %sign3A_858 : i32
      %sign3A_860 = arith.extui %sign3A_859 : i1 to i32
      %sign3A_861 = arith.constant 0 : i32
      %sign3A_862 = arith.cmpi slt, %jit3A_849, %sign3A_861 : i32
      %sign3A_863 = arith.extui %sign3A_862 : i1 to i32
      %sign3A_864 = arith.subi %sign3A_860, %sign3A_863 : i32
      %ne3A_865 = arith.cmpi ne, %sign3A_857, %sign3A_864 : i32
      %rem3A_866 = arith.remsi %add3A_848, %jit3A_849 : i32
      %ne3A_867 = arith.constant 0 : i32
      %ne3A_868 = arith.cmpi ne, %rem3A_866, %ne3A_867 : i32
      %and3A_869 = arith.andi %ne3A_865, %ne3A_868 : i1
      %sub3A_870 = arith.constant 1 : i32
      %sub3A_871 = arith.subi %div3A_850, %sub3A_870 : i32
      %select_n3A_872 = arith.select %and3A_869, %sub3A_871, %div3A_850 : i32
      %dma_wait3A_873 = arith.constant 7 : i32
      %dma_wait3A_874 = arith.constant 0 : i32
      %dma_wait3A_875 = arith.constant 0 : i32
      %dma_wait3A_876 = tpu.memref_slice %arg6[%dma_wait3A_873, %dma_wait3A_874, %dma_wait3A_875] : memref<10x64x128xf32, #tpu.memory_space<vmem>> -> memref<1x64x128xf32, #tpu.memory_space<vmem>>
      %dma_wait3A_877 = tpu.memref_squeeze %dma_wait3A_876 : memref<1x64x128xf32, #tpu.memory_space<vmem>> -> memref<64x128xf32, #tpu.memory_space<vmem>>
      %dma_wait3A_878 = arith.constant 64 : i32
      %dma_wait3A_879 = tpu.memref_slice %arg5[%select_n3A_872, %dma_wait3A_878] : memref<50x128xi32, #tpu.memory_space<vmem>> -> memref<1x64xi32, #tpu.memory_space<vmem>>
      %dma_wait3A_880 = tpu.memref_squeeze %dma_wait3A_879 : memref<1x64xi32, #tpu.memory_space<vmem>> -> memref<64xi32, #tpu.memory_space<vmem>>
      %dma_wait3A_881 = arith.constant 0 : i32
      %dma_wait3A_882 = arith.constant 0 : i32
      %dma_wait3A_883 = tpu.memref_slice %arg3[%dma_wait3A_881, %dma_wait3A_882] : memref<100000x128xf32, #tpu.memory_space<hbm>> -> memref<100000x128xf32, #tpu.memory_space<hbm>>
      tpu.wait_indirect_dma semaphore(%arg14 : memref<!tpu.dma_semaphore, #tpu.memory_space<semaphore_mem>>) src(%dma_wait3A_883 : memref<100000x128xf32, #tpu.memory_space<hbm>>) dst(%dma_wait3A_877 : memref<64x128xf32, #tpu.memory_space<vmem>>)
      %jit3A_884 = arith.constant 2 : i32
      %div3A_885 = arith.divsi %add3A_848, %jit3A_884 : i32
      %sign3A_886 = arith.constant 0 : i32
      %sign3A_887 = arith.cmpi sgt, %add3A_848, %sign3A_886 : i32
      %sign3A_888 = arith.extui %sign3A_887 : i1 to i32
      %sign3A_889 = arith.constant 0 : i32
      %sign3A_890 = arith.cmpi slt, %add3A_848, %sign3A_889 : i32
      %sign3A_891 = arith.extui %sign3A_890 : i1 to i32
      %sign3A_892 = arith.subi %sign3A_888, %sign3A_891 : i32
      %sign3A_893 = arith.constant 0 : i32
      %sign3A_894 = arith.cmpi sgt, %jit3A_884, %sign3A_893 : i32
      %sign3A_895 = arith.extui %sign3A_894 : i1 to i32
      %sign3A_896 = arith.constant 0 : i32
      %sign3A_897 = arith.cmpi slt, %jit3A_884, %sign3A_896 : i32
      %sign3A_898 = arith.extui %sign3A_897 : i1 to i32
      %sign3A_899 = arith.subi %sign3A_895, %sign3A_898 : i32
      %ne3A_900 = arith.cmpi ne, %sign3A_892, %sign3A_899 : i32
      %rem3A_901 = arith.remsi %add3A_848, %jit3A_884 : i32
      %ne3A_902 = arith.constant 0 : i32
      %ne3A_903 = arith.cmpi ne, %rem3A_901, %ne3A_902 : i32
      %and3A_904 = arith.andi %ne3A_900, %ne3A_903 : i1
      %sub3A_905 = arith.constant 1 : i32
      %sub3A_906 = arith.subi %div3A_885, %sub3A_905 : i32
      %select_n3A_907 = arith.select %and3A_904, %sub3A_906, %div3A_885 : i32
      %add3A_908 = arith.constant 64 : i32
      %add3A_909 = arith.addi %mul3A_2, %add3A_908 : i32
      %dma_start3A_910 = arith.constant 7 : i32
      %dma_start3A_911 = arith.constant 0 : i32
      %dma_start3A_912 = arith.constant 0 : i32
      %dma_start3A_913 = tpu.memref_slice %arg6[%dma_start3A_910, %dma_start3A_911, %dma_start3A_912] : memref<10x64x128xf32, #tpu.memory_space<vmem>> -> memref<1x64x128xf32, #tpu.memory_space<vmem>>
      %dma_start3A_914 = tpu.memref_squeeze %dma_start3A_913 : memref<1x64x128xf32, #tpu.memory_space<vmem>> -> memref<64x128xf32, #tpu.memory_space<vmem>>
      %dma_start3A_915 = arith.constant 0 : i32
      %dma_start3A_916 = tpu.memref_slice %arg4[%select_n3A_907, %add3A_909, %dma_start3A_915] : memref<50x4096x128xf32, #tpu.memory_space<hbm>> -> memref<1x64x128xf32, #tpu.memory_space<hbm>>
      %dma_start3A_917 = tpu.memref_squeeze %dma_start3A_916 : memref<1x64x128xf32, #tpu.memory_space<hbm>> -> memref<64x128xf32, #tpu.memory_space<hbm>>
      %dma_start3A_918 = arith.constant 0 : i32
      %dma_start3A_919 = tpu.memref_slice %arg4[%select_n3A_907, %add3A_909, %dma_start3A_918] : memref<50x4096x128xf32, #tpu.memory_space<hbm>> -> memref<1x64x128xf32, #tpu.memory_space<hbm>>
      %dma_start3A_920 = tpu.memref_squeeze %dma_start3A_919 : memref<1x64x128xf32, #tpu.memory_space<hbm>> -> memref<64x128xf32, #tpu.memory_space<hbm>>
      %dma_start3A_921 = arith.constant 0 : i32
      %dma_start3A_922 = arith.constant 0 : i32
      %dma_start3A_923 = tpu.memref_slice %arg6[%dma_start3A_910, %dma_start3A_921, %dma_start3A_922] : memref<10x64x128xf32, #tpu.memory_space<vmem>> -> memref<1x64x128xf32, #tpu.memory_space<vmem>>
      %dma_start3A_924 = tpu.memref_squeeze %dma_start3A_923 : memref<1x64x128xf32, #tpu.memory_space<vmem>> -> memref<64x128xf32, #tpu.memory_space<vmem>>
      tpu.enqueue_dma source(%dma_start3A_924 : memref<64x128xf32, #tpu.memory_space<vmem>>) target(%dma_start3A_920 : memref<64x128xf32, #tpu.memory_space<hbm>>) target_semaphore(%arg24 : memref<!tpu.dma_semaphore, #tpu.memory_space<semaphore_mem>>)
      %add3A_925 = arith.constant 5 : i32
      %add3A_926 = arith.addi %add3A_848, %add3A_925 : i32
      %lt3A_927 = arith.constant 100 : i32
      %lt3A_928 = arith.cmpi slt, %add3A_926, %lt3A_927 : i32
      %convert_element_type3A_929 = arith.extui %lt3A_928 : i1 to i32
      %cond3A_930 = arith.constant 0 : i32
      %cond3A_931 = arith.cmpi ne, %convert_element_type3A_929, %cond3A_930 : i32
      scf.if %cond3A_931 {
        %sub3A_1106 = arith.constant 5 : i32
        %sub3A_1107 = arith.subi %add3A_848, %sub3A_1106 : i32
        %ge3A = arith.constant 0 : i32
        %ge3A_1108 = arith.cmpi sge, %sub3A_1107, %ge3A : i32
        %convert_element_type3A_1109 = arith.extui %ge3A_1108 : i1 to i32
        %cond3A_1110 = arith.constant 0 : i32
        %cond3A_1111 = arith.cmpi ne, %convert_element_type3A_1109, %cond3A_1110 : i32
        scf.if %cond3A_1111 {
          %sub3A_1149 = arith.constant 5 : i32
          %sub3A_1150 = arith.subi %add3A_848, %sub3A_1149 : i32
          %jit3A_1151 = arith.constant 2 : i32
          %div3A_1152 = arith.divsi %sub3A_1150, %jit3A_1151 : i32
          %sign3A_1153 = arith.constant 0 : i32
          %sign3A_1154 = arith.cmpi sgt, %sub3A_1150, %sign3A_1153 : i32
          %sign3A_1155 = arith.extui %sign3A_1154 : i1 to i32
          %sign3A_1156 = arith.constant 0 : i32
          %sign3A_1157 = arith.cmpi slt, %sub3A_1150, %sign3A_1156 : i32
          %sign3A_1158 = arith.extui %sign3A_1157 : i1 to i32
          %sign3A_1159 = arith.subi %sign3A_1155, %sign3A_1158 : i32
          %sign3A_1160 = arith.constant 0 : i32
          %sign3A_1161 = arith.cmpi sgt, %jit3A_1151, %sign3A_1160 : i32
          %sign3A_1162 = arith.extui %sign3A_1161 : i1 to i32
          %sign3A_1163 = arith.constant 0 : i32
          %sign3A_1164 = arith.cmpi slt, %jit3A_1151, %sign3A_1163 : i32
          %sign3A_1165 = arith.extui %sign3A_1164 : i1 to i32
          %sign3A_1166 = arith.subi %sign3A_1162, %sign3A_1165 : i32
          %ne3A_1167 = arith.cmpi ne, %sign3A_1159, %sign3A_1166 : i32
          %rem3A_1168 = arith.remsi %sub3A_1150, %jit3A_1151 : i32
          %ne3A_1169 = arith.constant 0 : i32
          %ne3A_1170 = arith.cmpi ne, %rem3A_1168, %ne3A_1169 : i32
          %and3A_1171 = arith.andi %ne3A_1167, %ne3A_1170 : i1
          %sub3A_1172 = arith.constant 1 : i32
          %sub3A_1173 = arith.subi %div3A_1152, %sub3A_1172 : i32
          %select_n3A_1174 = arith.select %and3A_1171, %sub3A_1173, %div3A_1152 : i32
          %add3A_1175 = arith.constant 0 : i32
          %add3A_1176 = arith.addi %mul3A_2, %add3A_1175 : i32
          %dma_wait3A_1177 = arith.constant 2 : i32
          %dma_wait3A_1178 = arith.constant 0 : i32
          %dma_wait3A_1179 = arith.constant 0 : i32
          %dma_wait3A_1180 = tpu.memref_slice %arg6[%dma_wait3A_1177, %dma_wait3A_1178, %dma_wait3A_1179] : memref<10x64x128xf32, #tpu.memory_space<vmem>> -> memref<1x64x128xf32, #tpu.memory_space<vmem>>
          %dma_wait3A_1181 = tpu.memref_squeeze %dma_wait3A_1180 : memref<1x64x128xf32, #tpu.memory_space<vmem>> -> memref<64x128xf32, #tpu.memory_space<vmem>>
          %dma_wait3A_1182 = arith.constant 0 : i32
          %dma_wait3A_1183 = tpu.memref_slice %arg4[%select_n3A_1174, %add3A_1176, %dma_wait3A_1182] : memref<50x4096x128xf32, #tpu.memory_space<hbm>> -> memref<1x64x128xf32, #tpu.memory_space<hbm>>
          %dma_wait3A_1184 = tpu.memref_squeeze %dma_wait3A_1183 : memref<1x64x128xf32, #tpu.memory_space<hbm>> -> memref<64x128xf32, #tpu.memory_space<hbm>>
          %dma_wait3A_1185 = arith.constant 0 : i32
          %dma_wait3A_1186 = tpu.memref_slice %arg4[%select_n3A_1174, %add3A_1176, %dma_wait3A_1185] : memref<50x4096x128xf32, #tpu.memory_space<hbm>> -> memref<1x64x128xf32, #tpu.memory_space<hbm>>
          %dma_wait3A_1187 = tpu.memref_squeeze %dma_wait3A_1186 : memref<1x64x128xf32, #tpu.memory_space<hbm>> -> memref<64x128xf32, #tpu.memory_space<hbm>>
          %dma_wait3A_1188 = arith.constant 0 : i32
          %dma_wait3A_1189 = arith.constant 0 : i32
          %dma_wait3A_1190 = tpu.memref_slice %arg6[%dma_wait3A_1177, %dma_wait3A_1188, %dma_wait3A_1189] : memref<10x64x128xf32, #tpu.memory_space<vmem>> -> memref<1x64x128xf32, #tpu.memory_space<vmem>>
          %dma_wait3A_1191 = tpu.memref_squeeze %dma_wait3A_1190 : memref<1x64x128xf32, #tpu.memory_space<vmem>> -> memref<64x128xf32, #tpu.memory_space<vmem>>
          tpu.wait_dma2 semaphore(%arg19 : memref<!tpu.dma_semaphore, #tpu.memory_space<semaphore_mem>>) src(%dma_wait3A_1191 : memref<64x128xf32, #tpu.memory_space<vmem>>) dst(%dma_wait3A_1187 : memref<64x128xf32, #tpu.memory_space<hbm>>)
        } else {
        }
        %add3A_1112 = arith.constant 5 : i32
        %add3A_1113 = arith.addi %add3A_848, %add3A_1112 : i32
        %jit3A_1114 = arith.constant 2 : i32
        %div3A_1115 = arith.divsi %add3A_1113, %jit3A_1114 : i32
        %sign3A_1116 = arith.constant 0 : i32
        %sign3A_1117 = arith.cmpi sgt, %add3A_1113, %sign3A_1116 : i32
        %sign3A_1118 = arith.extui %sign3A_1117 : i1 to i32
        %sign3A_1119 = arith.constant 0 : i32
        %sign3A_1120 = arith.cmpi slt, %add3A_1113, %sign3A_1119 : i32
        %sign3A_1121 = arith.extui %sign3A_1120 : i1 to i32
        %sign3A_1122 = arith.subi %sign3A_1118, %sign3A_1121 : i32
        %sign3A_1123 = arith.constant 0 : i32
        %sign3A_1124 = arith.cmpi sgt, %jit3A_1114, %sign3A_1123 : i32
        %sign3A_1125 = arith.extui %sign3A_1124 : i1 to i32
        %sign3A_1126 = arith.constant 0 : i32
        %sign3A_1127 = arith.cmpi slt, %jit3A_1114, %sign3A_1126 : i32
        %sign3A_1128 = arith.extui %sign3A_1127 : i1 to i32
        %sign3A_1129 = arith.subi %sign3A_1125, %sign3A_1128 : i32
        %ne3A_1130 = arith.cmpi ne, %sign3A_1122, %sign3A_1129 : i32
        %rem3A_1131 = arith.remsi %add3A_1113, %jit3A_1114 : i32
        %ne3A_1132 = arith.constant 0 : i32
        %ne3A_1133 = arith.cmpi ne, %rem3A_1131, %ne3A_1132 : i32
        %and3A_1134 = arith.andi %ne3A_1130, %ne3A_1133 : i1
        %sub3A_1135 = arith.constant 1 : i32
        %sub3A_1136 = arith.subi %div3A_1115, %sub3A_1135 : i32
        %select_n3A_1137 = arith.select %and3A_1134, %sub3A_1136, %div3A_1115 : i32
        %dma_start3A_1138 = arith.constant 2 : i32
        %dma_start3A_1139 = arith.constant 0 : i32
        %dma_start3A_1140 = arith.constant 0 : i32
        %dma_start3A_1141 = tpu.memref_slice %arg6[%dma_start3A_1138, %dma_start3A_1139, %dma_start3A_1140] : memref<10x64x128xf32, #tpu.memory_space<vmem>> -> memref<1x64x128xf32, #tpu.memory_space<vmem>>
        %dma_start3A_1142 = tpu.memref_squeeze %dma_start3A_1141 : memref<1x64x128xf32, #tpu.memory_space<vmem>> -> memref<64x128xf32, #tpu.memory_space<vmem>>
        %dma_start3A_1143 = arith.constant 0 : i32
        %dma_start3A_1144 = tpu.memref_slice %arg5[%select_n3A_1137, %dma_start3A_1143] : memref<50x128xi32, #tpu.memory_space<vmem>> -> memref<1x64xi32, #tpu.memory_space<vmem>>
        %dma_start3A_1145 = tpu.memref_squeeze %dma_start3A_1144 : memref<1x64xi32, #tpu.memory_space<vmem>> -> memref<64xi32, #tpu.memory_space<vmem>>
        %dma_start3A_1146 = arith.constant 0 : i32
        %dma_start3A_1147 = arith.constant 0 : i32
        %dma_start3A_1148 = tpu.memref_slice %arg3[%dma_start3A_1146, %dma_start3A_1147] : memref<100000x128xf32, #tpu.memory_space<hbm>> -> memref<100000x128xf32, #tpu.memory_space<hbm>>
        tpu.enqueue_indirect_dma source(%dma_start3A_1148 : memref<100000x128xf32, #tpu.memory_space<hbm>>) target(%dma_start3A_1142 : memref<64x128xf32, #tpu.memory_space<vmem>>) offsets(%dma_start3A_1145 : memref<64xi32, #tpu.memory_space<vmem>>) semaphore(%arg9 : memref<!tpu.dma_semaphore, #tpu.memory_space<semaphore_mem>>)
      } else {
      }
      %mul3A_932 = arith.constant 10 : i32
      %mul3A_933 = arith.muli %mul3A_932, %scan3A_246 : i32
      %add3A_934 = arith.constant 8 : i32
      %add3A_935 = arith.addi %mul3A_933, %add3A_934 : i32
      %jit3A_936 = arith.constant 2 : i32
      %div3A_937 = arith.divsi %add3A_935, %jit3A_936 : i32
      %sign3A_938 = arith.constant 0 : i32
      %sign3A_939 = arith.cmpi sgt, %add3A_935, %sign3A_938 : i32
      %sign3A_940 = arith.extui %sign3A_939 : i1 to i32
      %sign3A_941 = arith.constant 0 : i32
      %sign3A_942 = arith.cmpi slt, %add3A_935, %sign3A_941 : i32
      %sign3A_943 = arith.extui %sign3A_942 : i1 to i32
      %sign3A_944 = arith.subi %sign3A_940, %sign3A_943 : i32
      %sign3A_945 = arith.constant 0 : i32
      %sign3A_946 = arith.cmpi sgt, %jit3A_936, %sign3A_945 : i32
      %sign3A_947 = arith.extui %sign3A_946 : i1 to i32
      %sign3A_948 = arith.constant 0 : i32
      %sign3A_949 = arith.cmpi slt, %jit3A_936, %sign3A_948 : i32
      %sign3A_950 = arith.extui %sign3A_949 : i1 to i32
      %sign3A_951 = arith.subi %sign3A_947, %sign3A_950 : i32
      %ne3A_952 = arith.cmpi ne, %sign3A_944, %sign3A_951 : i32
      %rem3A_953 = arith.remsi %add3A_935, %jit3A_936 : i32
      %ne3A_954 = arith.constant 0 : i32
      %ne3A_955 = arith.cmpi ne, %rem3A_953, %ne3A_954 : i32
      %and3A_956 = arith.andi %ne3A_952, %ne3A_955 : i1
      %sub3A_957 = arith.constant 1 : i32
      %sub3A_958 = arith.subi %div3A_937, %sub3A_957 : i32
      %select_n3A_959 = arith.select %and3A_956, %sub3A_958, %div3A_937 : i32
      %dma_wait3A_960 = arith.constant 8 : i32
      %dma_wait3A_961 = arith.constant 0 : i32
      %dma_wait3A_962 = arith.constant 0 : i32
      %dma_wait3A_963 = tpu.memref_slice %arg6[%dma_wait3A_960, %dma_wait3A_961, %dma_wait3A_962] : memref<10x64x128xf32, #tpu.memory_space<vmem>> -> memref<1x64x128xf32, #tpu.memory_space<vmem>>
      %dma_wait3A_964 = tpu.memref_squeeze %dma_wait3A_963 : memref<1x64x128xf32, #tpu.memory_space<vmem>> -> memref<64x128xf32, #tpu.memory_space<vmem>>
      %dma_wait3A_965 = arith.constant 0 : i32
      %dma_wait3A_966 = tpu.memref_slice %arg5[%select_n3A_959, %dma_wait3A_965] : memref<50x128xi32, #tpu.memory_space<vmem>> -> memref<1x64xi32, #tpu.memory_space<vmem>>
      %dma_wait3A_967 = tpu.memref_squeeze %dma_wait3A_966 : memref<1x64xi32, #tpu.memory_space<vmem>> -> memref<64xi32, #tpu.memory_space<vmem>>
      %dma_wait3A_968 = arith.constant 0 : i32
      %dma_wait3A_969 = arith.constant 0 : i32
      %dma_wait3A_970 = tpu.memref_slice %arg3[%dma_wait3A_968, %dma_wait3A_969] : memref<100000x128xf32, #tpu.memory_space<hbm>> -> memref<100000x128xf32, #tpu.memory_space<hbm>>
      tpu.wait_indirect_dma semaphore(%arg15 : memref<!tpu.dma_semaphore, #tpu.memory_space<semaphore_mem>>) src(%dma_wait3A_970 : memref<100000x128xf32, #tpu.memory_space<hbm>>) dst(%dma_wait3A_964 : memref<64x128xf32, #tpu.memory_space<vmem>>)
      %jit3A_971 = arith.constant 2 : i32
      %div3A_972 = arith.divsi %add3A_935, %jit3A_971 : i32
      %sign3A_973 = arith.constant 0 : i32
      %sign3A_974 = arith.cmpi sgt, %add3A_935, %sign3A_973 : i32
      %sign3A_975 = arith.extui %sign3A_974 : i1 to i32
      %sign3A_976 = arith.constant 0 : i32
      %sign3A_977 = arith.cmpi slt, %add3A_935, %sign3A_976 : i32
      %sign3A_978 = arith.extui %sign3A_977 : i1 to i32
      %sign3A_979 = arith.subi %sign3A_975, %sign3A_978 : i32
      %sign3A_980 = arith.constant 0 : i32
      %sign3A_981 = arith.cmpi sgt, %jit3A_971, %sign3A_980 : i32
      %sign3A_982 = arith.extui %sign3A_981 : i1 to i32
      %sign3A_983 = arith.constant 0 : i32
      %sign3A_984 = arith.cmpi slt, %jit3A_971, %sign3A_983 : i32
      %sign3A_985 = arith.extui %sign3A_984 : i1 to i32
      %sign3A_986 = arith.subi %sign3A_982, %sign3A_985 : i32
      %ne3A_987 = arith.cmpi ne, %sign3A_979, %sign3A_986 : i32
      %rem3A_988 = arith.remsi %add3A_935, %jit3A_971 : i32
      %ne3A_989 = arith.constant 0 : i32
      %ne3A_990 = arith.cmpi ne, %rem3A_988, %ne3A_989 : i32
      %and3A_991 = arith.andi %ne3A_987, %ne3A_990 : i1
      %sub3A_992 = arith.constant 1 : i32
      %sub3A_993 = arith.subi %div3A_972, %sub3A_992 : i32
      %select_n3A_994 = arith.select %and3A_991, %sub3A_993, %div3A_972 : i32
      %add3A_995 = arith.constant 0 : i32
      %add3A_996 = arith.addi %mul3A_2, %add3A_995 : i32
      %dma_start3A_997 = arith.constant 8 : i32
      %dma_start3A_998 = arith.constant 0 : i32
      %dma_start3A_999 = arith.constant 0 : i32
      %dma_start3A_1000 = tpu.memref_slice %arg6[%dma_start3A_997, %dma_start3A_998, %dma_start3A_999] : memref<10x64x128xf32, #tpu.memory_space<vmem>> -> memref<1x64x128xf32, #tpu.memory_space<vmem>>
      %dma_start3A_1001 = tpu.memref_squeeze %dma_start3A_1000 : memref<1x64x128xf32, #tpu.memory_space<vmem>> -> memref<64x128xf32, #tpu.memory_space<vmem>>
      %dma_start3A_1002 = arith.constant 0 : i32
      %dma_start3A_1003 = tpu.memref_slice %arg4[%select_n3A_994, %add3A_996, %dma_start3A_1002] : memref<50x4096x128xf32, #tpu.memory_space<hbm>> -> memref<1x64x128xf32, #tpu.memory_space<hbm>>
      %dma_start3A_1004 = tpu.memref_squeeze %dma_start3A_1003 : memref<1x64x128xf32, #tpu.memory_space<hbm>> -> memref<64x128xf32, #tpu.memory_space<hbm>>
      %dma_start3A_1005 = arith.constant 0 : i32
      %dma_start3A_1006 = tpu.memref_slice %arg4[%select_n3A_994, %add3A_996, %dma_start3A_1005] : memref<50x4096x128xf32, #tpu.memory_space<hbm>> -> memref<1x64x128xf32, #tpu.memory_space<hbm>>
      %dma_start3A_1007 = tpu.memref_squeeze %dma_start3A_1006 : memref<1x64x128xf32, #tpu.memory_space<hbm>> -> memref<64x128xf32, #tpu.memory_space<hbm>>
      %dma_start3A_1008 = arith.constant 0 : i32
      %dma_start3A_1009 = arith.constant 0 : i32
      %dma_start3A_1010 = tpu.memref_slice %arg6[%dma_start3A_997, %dma_start3A_1008, %dma_start3A_1009] : memref<10x64x128xf32, #tpu.memory_space<vmem>> -> memref<1x64x128xf32, #tpu.memory_space<vmem>>
      %dma_start3A_1011 = tpu.memref_squeeze %dma_start3A_1010 : memref<1x64x128xf32, #tpu.memory_space<vmem>> -> memref<64x128xf32, #tpu.memory_space<vmem>>
      tpu.enqueue_dma source(%dma_start3A_1011 : memref<64x128xf32, #tpu.memory_space<vmem>>) target(%dma_start3A_1007 : memref<64x128xf32, #tpu.memory_space<hbm>>) target_semaphore(%arg25 : memref<!tpu.dma_semaphore, #tpu.memory_space<semaphore_mem>>)
      %add3A_1012 = arith.constant 5 : i32
      %add3A_1013 = arith.addi %add3A_935, %add3A_1012 : i32
      %lt3A_1014 = arith.constant 100 : i32
      %lt3A_1015 = arith.cmpi slt, %add3A_1013, %lt3A_1014 : i32
      %convert_element_type3A_1016 = arith.extui %lt3A_1015 : i1 to i32
      %cond3A_1017 = arith.constant 0 : i32
      %cond3A_1018 = arith.cmpi ne, %convert_element_type3A_1016, %cond3A_1017 : i32
      scf.if %cond3A_1018 {
        %sub3A_1106 = arith.constant 5 : i32
        %sub3A_1107 = arith.subi %add3A_935, %sub3A_1106 : i32
        %ge3A = arith.constant 0 : i32
        %ge3A_1108 = arith.cmpi sge, %sub3A_1107, %ge3A : i32
        %convert_element_type3A_1109 = arith.extui %ge3A_1108 : i1 to i32
        %cond3A_1110 = arith.constant 0 : i32
        %cond3A_1111 = arith.cmpi ne, %convert_element_type3A_1109, %cond3A_1110 : i32
        scf.if %cond3A_1111 {
          %sub3A_1149 = arith.constant 5 : i32
          %sub3A_1150 = arith.subi %add3A_935, %sub3A_1149 : i32
          %jit3A_1151 = arith.constant 2 : i32
          %div3A_1152 = arith.divsi %sub3A_1150, %jit3A_1151 : i32
          %sign3A_1153 = arith.constant 0 : i32
          %sign3A_1154 = arith.cmpi sgt, %sub3A_1150, %sign3A_1153 : i32
          %sign3A_1155 = arith.extui %sign3A_1154 : i1 to i32
          %sign3A_1156 = arith.constant 0 : i32
          %sign3A_1157 = arith.cmpi slt, %sub3A_1150, %sign3A_1156 : i32
          %sign3A_1158 = arith.extui %sign3A_1157 : i1 to i32
          %sign3A_1159 = arith.subi %sign3A_1155, %sign3A_1158 : i32
          %sign3A_1160 = arith.constant 0 : i32
          %sign3A_1161 = arith.cmpi sgt, %jit3A_1151, %sign3A_1160 : i32
          %sign3A_1162 = arith.extui %sign3A_1161 : i1 to i32
          %sign3A_1163 = arith.constant 0 : i32
          %sign3A_1164 = arith.cmpi slt, %jit3A_1151, %sign3A_1163 : i32
          %sign3A_1165 = arith.extui %sign3A_1164 : i1 to i32
          %sign3A_1166 = arith.subi %sign3A_1162, %sign3A_1165 : i32
          %ne3A_1167 = arith.cmpi ne, %sign3A_1159, %sign3A_1166 : i32
          %rem3A_1168 = arith.remsi %sub3A_1150, %jit3A_1151 : i32
          %ne3A_1169 = arith.constant 0 : i32
          %ne3A_1170 = arith.cmpi ne, %rem3A_1168, %ne3A_1169 : i32
          %and3A_1171 = arith.andi %ne3A_1167, %ne3A_1170 : i1
          %sub3A_1172 = arith.constant 1 : i32
          %sub3A_1173 = arith.subi %div3A_1152, %sub3A_1172 : i32
          %select_n3A_1174 = arith.select %and3A_1171, %sub3A_1173, %div3A_1152 : i32
          %add3A_1175 = arith.constant 64 : i32
          %add3A_1176 = arith.addi %mul3A_2, %add3A_1175 : i32
          %dma_wait3A_1177 = arith.constant 3 : i32
          %dma_wait3A_1178 = arith.constant 0 : i32
          %dma_wait3A_1179 = arith.constant 0 : i32
          %dma_wait3A_1180 = tpu.memref_slice %arg6[%dma_wait3A_1177, %dma_wait3A_1178, %dma_wait3A_1179] : memref<10x64x128xf32, #tpu.memory_space<vmem>> -> memref<1x64x128xf32, #tpu.memory_space<vmem>>
          %dma_wait3A_1181 = tpu.memref_squeeze %dma_wait3A_1180 : memref<1x64x128xf32, #tpu.memory_space<vmem>> -> memref<64x128xf32, #tpu.memory_space<vmem>>
          %dma_wait3A_1182 = arith.constant 0 : i32
          %dma_wait3A_1183 = tpu.memref_slice %arg4[%select_n3A_1174, %add3A_1176, %dma_wait3A_1182] : memref<50x4096x128xf32, #tpu.memory_space<hbm>> -> memref<1x64x128xf32, #tpu.memory_space<hbm>>
          %dma_wait3A_1184 = tpu.memref_squeeze %dma_wait3A_1183 : memref<1x64x128xf32, #tpu.memory_space<hbm>> -> memref<64x128xf32, #tpu.memory_space<hbm>>
          %dma_wait3A_1185 = arith.constant 0 : i32
          %dma_wait3A_1186 = tpu.memref_slice %arg4[%select_n3A_1174, %add3A_1176, %dma_wait3A_1185] : memref<50x4096x128xf32, #tpu.memory_space<hbm>> -> memref<1x64x128xf32, #tpu.memory_space<hbm>>
          %dma_wait3A_1187 = tpu.memref_squeeze %dma_wait3A_1186 : memref<1x64x128xf32, #tpu.memory_space<hbm>> -> memref<64x128xf32, #tpu.memory_space<hbm>>
          %dma_wait3A_1188 = arith.constant 0 : i32
          %dma_wait3A_1189 = arith.constant 0 : i32
          %dma_wait3A_1190 = tpu.memref_slice %arg6[%dma_wait3A_1177, %dma_wait3A_1188, %dma_wait3A_1189] : memref<10x64x128xf32, #tpu.memory_space<vmem>> -> memref<1x64x128xf32, #tpu.memory_space<vmem>>
          %dma_wait3A_1191 = tpu.memref_squeeze %dma_wait3A_1190 : memref<1x64x128xf32, #tpu.memory_space<vmem>> -> memref<64x128xf32, #tpu.memory_space<vmem>>
          tpu.wait_dma2 semaphore(%arg20 : memref<!tpu.dma_semaphore, #tpu.memory_space<semaphore_mem>>) src(%dma_wait3A_1191 : memref<64x128xf32, #tpu.memory_space<vmem>>) dst(%dma_wait3A_1187 : memref<64x128xf32, #tpu.memory_space<hbm>>)
        } else {
        }
        %add3A_1112 = arith.constant 5 : i32
        %add3A_1113 = arith.addi %add3A_935, %add3A_1112 : i32
        %jit3A_1114 = arith.constant 2 : i32
        %div3A_1115 = arith.divsi %add3A_1113, %jit3A_1114 : i32
        %sign3A_1116 = arith.constant 0 : i32
        %sign3A_1117 = arith.cmpi sgt, %add3A_1113, %sign3A_1116 : i32
        %sign3A_1118 = arith.extui %sign3A_1117 : i1 to i32
        %sign3A_1119 = arith.constant 0 : i32
        %sign3A_1120 = arith.cmpi slt, %add3A_1113, %sign3A_1119 : i32
        %sign3A_1121 = arith.extui %sign3A_1120 : i1 to i32
        %sign3A_1122 = arith.subi %sign3A_1118, %sign3A_1121 : i32
        %sign3A_1123 = arith.constant 0 : i32
        %sign3A_1124 = arith.cmpi sgt, %jit3A_1114, %sign3A_1123 : i32
        %sign3A_1125 = arith.extui %sign3A_1124 : i1 to i32
        %sign3A_1126 = arith.constant 0 : i32
        %sign3A_1127 = arith.cmpi slt, %jit3A_1114, %sign3A_1126 : i32
        %sign3A_1128 = arith.extui %sign3A_1127 : i1 to i32
        %sign3A_1129 = arith.subi %sign3A_1125, %sign3A_1128 : i32
        %ne3A_1130 = arith.cmpi ne, %sign3A_1122, %sign3A_1129 : i32
        %rem3A_1131 = arith.remsi %add3A_1113, %jit3A_1114 : i32
        %ne3A_1132 = arith.constant 0 : i32
        %ne3A_1133 = arith.cmpi ne, %rem3A_1131, %ne3A_1132 : i32
        %and3A_1134 = arith.andi %ne3A_1130, %ne3A_1133 : i1
        %sub3A_1135 = arith.constant 1 : i32
        %sub3A_1136 = arith.subi %div3A_1115, %sub3A_1135 : i32
        %select_n3A_1137 = arith.select %and3A_1134, %sub3A_1136, %div3A_1115 : i32
        %dma_start3A_1138 = arith.constant 3 : i32
        %dma_start3A_1139 = arith.constant 0 : i32
        %dma_start3A_1140 = arith.constant 0 : i32
        %dma_start3A_1141 = tpu.memref_slice %arg6[%dma_start3A_1138, %dma_start3A_1139, %dma_start3A_1140] : memref<10x64x128xf32, #tpu.memory_space<vmem>> -> memref<1x64x128xf32, #tpu.memory_space<vmem>>
        %dma_start3A_1142 = tpu.memref_squeeze %dma_start3A_1141 : memref<1x64x128xf32, #tpu.memory_space<vmem>> -> memref<64x128xf32, #tpu.memory_space<vmem>>
        %dma_start3A_1143 = arith.constant 64 : i32
        %dma_start3A_1144 = tpu.memref_slice %arg5[%select_n3A_1137, %dma_start3A_1143] : memref<50x128xi32, #tpu.memory_space<vmem>> -> memref<1x64xi32, #tpu.memory_space<vmem>>
        %dma_start3A_1145 = tpu.memref_squeeze %dma_start3A_1144 : memref<1x64xi32, #tpu.memory_space<vmem>> -> memref<64xi32, #tpu.memory_space<vmem>>
        %dma_start3A_1146 = arith.constant 0 : i32
        %dma_start3A_1147 = arith.constant 0 : i32
        %dma_start3A_1148 = tpu.memref_slice %arg3[%dma_start3A_1146, %dma_start3A_1147] : memref<100000x128xf32, #tpu.memory_space<hbm>> -> memref<100000x128xf32, #tpu.memory_space<hbm>>
        tpu.enqueue_indirect_dma source(%dma_start3A_1148 : memref<100000x128xf32, #tpu.memory_space<hbm>>) target(%dma_start3A_1142 : memref<64x128xf32, #tpu.memory_space<vmem>>) offsets(%dma_start3A_1145 : memref<64xi32, #tpu.memory_space<vmem>>) semaphore(%arg10 : memref<!tpu.dma_semaphore, #tpu.memory_space<semaphore_mem>>)
      } else {
      }
      %mul3A_1019 = arith.constant 10 : i32
      %mul3A_1020 = arith.muli %mul3A_1019, %scan3A_246 : i32
      %add3A_1021 = arith.constant 9 : i32
      %add3A_1022 = arith.addi %mul3A_1020, %add3A_1021 : i32
      %jit3A_1023 = arith.constant 2 : i32
      %div3A_1024 = arith.divsi %add3A_1022, %jit3A_1023 : i32
      %sign3A_1025 = arith.constant 0 : i32
      %sign3A_1026 = arith.cmpi sgt, %add3A_1022, %sign3A_1025 : i32
      %sign3A_1027 = arith.extui %sign3A_1026 : i1 to i32
      %sign3A_1028 = arith.constant 0 : i32
      %sign3A_1029 = arith.cmpi slt, %add3A_1022, %sign3A_1028 : i32
      %sign3A_1030 = arith.extui %sign3A_1029 : i1 to i32
      %sign3A_1031 = arith.subi %sign3A_1027, %sign3A_1030 : i32
      %sign3A_1032 = arith.constant 0 : i32
      %sign3A_1033 = arith.cmpi sgt, %jit3A_1023, %sign3A_1032 : i32
      %sign3A_1034 = arith.extui %sign3A_1033 : i1 to i32
      %sign3A_1035 = arith.constant 0 : i32
      %sign3A_1036 = arith.cmpi slt, %jit3A_1023, %sign3A_1035 : i32
      %sign3A_1037 = arith.extui %sign3A_1036 : i1 to i32
      %sign3A_1038 = arith.subi %sign3A_1034, %sign3A_1037 : i32
      %ne3A_1039 = arith.cmpi ne, %sign3A_1031, %sign3A_1038 : i32
      %rem3A_1040 = arith.remsi %add3A_1022, %jit3A_1023 : i32
      %ne3A_1041 = arith.constant 0 : i32
      %ne3A_1042 = arith.cmpi ne, %rem3A_1040, %ne3A_1041 : i32
      %and3A_1043 = arith.andi %ne3A_1039, %ne3A_1042 : i1
      %sub3A_1044 = arith.constant 1 : i32
      %sub3A_1045 = arith.subi %div3A_1024, %sub3A_1044 : i32
      %select_n3A_1046 = arith.select %and3A_1043, %sub3A_1045, %div3A_1024 : i32
      %dma_wait3A_1047 = arith.constant 9 : i32
      %dma_wait3A_1048 = arith.constant 0 : i32
      %dma_wait3A_1049 = arith.constant 0 : i32
      %dma_wait3A_1050 = tpu.memref_slice %arg6[%dma_wait3A_1047, %dma_wait3A_1048, %dma_wait3A_1049] : memref<10x64x128xf32, #tpu.memory_space<vmem>> -> memref<1x64x128xf32, #tpu.memory_space<vmem>>
      %dma_wait3A_1051 = tpu.memref_squeeze %dma_wait3A_1050 : memref<1x64x128xf32, #tpu.memory_space<vmem>> -> memref<64x128xf32, #tpu.memory_space<vmem>>
      %dma_wait3A_1052 = arith.constant 64 : i32
      %dma_wait3A_1053 = tpu.memref_slice %arg5[%select_n3A_1046, %dma_wait3A_1052] : memref<50x128xi32, #tpu.memory_space<vmem>> -> memref<1x64xi32, #tpu.memory_space<vmem>>
      %dma_wait3A_1054 = tpu.memref_squeeze %dma_wait3A_1053 : memref<1x64xi32, #tpu.memory_space<vmem>> -> memref<64xi32, #tpu.memory_space<vmem>>
      %dma_wait3A_1055 = arith.constant 0 : i32
      %dma_wait3A_1056 = arith.constant 0 : i32
      %dma_wait3A_1057 = tpu.memref_slice %arg3[%dma_wait3A_1055, %dma_wait3A_1056] : memref<100000x128xf32, #tpu.memory_space<hbm>> -> memref<100000x128xf32, #tpu.memory_space<hbm>>
      tpu.wait_indirect_dma semaphore(%arg16 : memref<!tpu.dma_semaphore, #tpu.memory_space<semaphore_mem>>) src(%dma_wait3A_1057 : memref<100000x128xf32, #tpu.memory_space<hbm>>) dst(%dma_wait3A_1051 : memref<64x128xf32, #tpu.memory_space<vmem>>)
      %jit3A_1058 = arith.constant 2 : i32
      %div3A_1059 = arith.divsi %add3A_1022, %jit3A_1058 : i32
      %sign3A_1060 = arith.constant 0 : i32
      %sign3A_1061 = arith.cmpi sgt, %add3A_1022, %sign3A_1060 : i32
      %sign3A_1062 = arith.extui %sign3A_1061 : i1 to i32
      %sign3A_1063 = arith.constant 0 : i32
      %sign3A_1064 = arith.cmpi slt, %add3A_1022, %sign3A_1063 : i32
      %sign3A_1065 = arith.extui %sign3A_1064 : i1 to i32
      %sign3A_1066 = arith.subi %sign3A_1062, %sign3A_1065 : i32
      %sign3A_1067 = arith.constant 0 : i32
      %sign3A_1068 = arith.cmpi sgt, %jit3A_1058, %sign3A_1067 : i32
      %sign3A_1069 = arith.extui %sign3A_1068 : i1 to i32
      %sign3A_1070 = arith.constant 0 : i32
      %sign3A_1071 = arith.cmpi slt, %jit3A_1058, %sign3A_1070 : i32
      %sign3A_1072 = arith.extui %sign3A_1071 : i1 to i32
      %sign3A_1073 = arith.subi %sign3A_1069, %sign3A_1072 : i32
      %ne3A_1074 = arith.cmpi ne, %sign3A_1066, %sign3A_1073 : i32
      %rem3A_1075 = arith.remsi %add3A_1022, %jit3A_1058 : i32
      %ne3A_1076 = arith.constant 0 : i32
      %ne3A_1077 = arith.cmpi ne, %rem3A_1075, %ne3A_1076 : i32
      %and3A_1078 = arith.andi %ne3A_1074, %ne3A_1077 : i1
      %sub3A_1079 = arith.constant 1 : i32
      %sub3A_1080 = arith.subi %div3A_1059, %sub3A_1079 : i32
      %select_n3A_1081 = arith.select %and3A_1078, %sub3A_1080, %div3A_1059 : i32
      %add3A_1082 = arith.constant 64 : i32
      %add3A_1083 = arith.addi %mul3A_2, %add3A_1082 : i32
      %dma_start3A_1084 = arith.constant 9 : i32
      %dma_start3A_1085 = arith.constant 0 : i32
      %dma_start3A_1086 = arith.constant 0 : i32
      %dma_start3A_1087 = tpu.memref_slice %arg6[%dma_start3A_1084, %dma_start3A_1085, %dma_start3A_1086] : memref<10x64x128xf32, #tpu.memory_space<vmem>> -> memref<1x64x128xf32, #tpu.memory_space<vmem>>
      %dma_start3A_1088 = tpu.memref_squeeze %dma_start3A_1087 : memref<1x64x128xf32, #tpu.memory_space<vmem>> -> memref<64x128xf32, #tpu.memory_space<vmem>>
      %dma_start3A_1089 = arith.constant 0 : i32
      %dma_start3A_1090 = tpu.memref_slice %arg4[%select_n3A_1081, %add3A_1083, %dma_start3A_1089] : memref<50x4096x128xf32, #tpu.memory_space<hbm>> -> memref<1x64x128xf32, #tpu.memory_space<hbm>>
      %dma_start3A_1091 = tpu.memref_squeeze %dma_start3A_1090 : memref<1x64x128xf32, #tpu.memory_space<hbm>> -> memref<64x128xf32, #tpu.memory_space<hbm>>
      %dma_start3A_1092 = arith.constant 0 : i32
      %dma_start3A_1093 = tpu.memref_slice %arg4[%select_n3A_1081, %add3A_1083, %dma_start3A_1092] : memref<50x4096x128xf32, #tpu.memory_space<hbm>> -> memref<1x64x128xf32, #tpu.memory_space<hbm>>
      %dma_start3A_1094 = tpu.memref_squeeze %dma_start3A_1093 : memref<1x64x128xf32, #tpu.memory_space<hbm>> -> memref<64x128xf32, #tpu.memory_space<hbm>>
      %dma_start3A_1095 = arith.constant 0 : i32
      %dma_start3A_1096 = arith.constant 0 : i32
      %dma_start3A_1097 = tpu.memref_slice %arg6[%dma_start3A_1084, %dma_start3A_1095, %dma_start3A_1096] : memref<10x64x128xf32, #tpu.memory_space<vmem>> -> memref<1x64x128xf32, #tpu.memory_space<vmem>>
      %dma_start3A_1098 = tpu.memref_squeeze %dma_start3A_1097 : memref<1x64x128xf32, #tpu.memory_space<vmem>> -> memref<64x128xf32, #tpu.memory_space<vmem>>
      tpu.enqueue_dma source(%dma_start3A_1098 : memref<64x128xf32, #tpu.memory_space<vmem>>) target(%dma_start3A_1094 : memref<64x128xf32, #tpu.memory_space<hbm>>) target_semaphore(%arg26 : memref<!tpu.dma_semaphore, #tpu.memory_space<semaphore_mem>>)
      %add3A_1099 = arith.constant 5 : i32
      %add3A_1100 = arith.addi %add3A_1022, %add3A_1099 : i32
      %lt3A_1101 = arith.constant 100 : i32
      %lt3A_1102 = arith.cmpi slt, %add3A_1100, %lt3A_1101 : i32
      %convert_element_type3A_1103 = arith.extui %lt3A_1102 : i1 to i32
      %cond3A_1104 = arith.constant 0 : i32
      %cond3A_1105 = arith.cmpi ne, %convert_element_type3A_1103, %cond3A_1104 : i32
      scf.if %cond3A_1105 {
        %sub3A_1106 = arith.constant 5 : i32
        %sub3A_1107 = arith.subi %add3A_1022, %sub3A_1106 : i32
        %ge3A = arith.constant 0 : i32
        %ge3A_1108 = arith.cmpi sge, %sub3A_1107, %ge3A : i32
        %convert_element_type3A_1109 = arith.extui %ge3A_1108 : i1 to i32
        %cond3A_1110 = arith.constant 0 : i32
        %cond3A_1111 = arith.cmpi ne, %convert_element_type3A_1109, %cond3A_1110 : i32
        scf.if %cond3A_1111 {
          %sub3A_1149 = arith.constant 5 : i32
          %sub3A_1150 = arith.subi %add3A_1022, %sub3A_1149 : i32
          %jit3A_1151 = arith.constant 2 : i32
          %div3A_1152 = arith.divsi %sub3A_1150, %jit3A_1151 : i32
          %sign3A_1153 = arith.constant 0 : i32
          %sign3A_1154 = arith.cmpi sgt, %sub3A_1150, %sign3A_1153 : i32
          %sign3A_1155 = arith.extui %sign3A_1154 : i1 to i32
          %sign3A_1156 = arith.constant 0 : i32
          %sign3A_1157 = arith.cmpi slt, %sub3A_1150, %sign3A_1156 : i32
          %sign3A_1158 = arith.extui %sign3A_1157 : i1 to i32
          %sign3A_1159 = arith.subi %sign3A_1155, %sign3A_1158 : i32
          %sign3A_1160 = arith.constant 0 : i32
          %sign3A_1161 = arith.cmpi sgt, %jit3A_1151, %sign3A_1160 : i32
          %sign3A_1162 = arith.extui %sign3A_1161 : i1 to i32
          %sign3A_1163 = arith.constant 0 : i32
          %sign3A_1164 = arith.cmpi slt, %jit3A_1151, %sign3A_1163 : i32
          %sign3A_1165 = arith.extui %sign3A_1164 : i1 to i32
          %sign3A_1166 = arith.subi %sign3A_1162, %sign3A_1165 : i32
          %ne3A_1167 = arith.cmpi ne, %sign3A_1159, %sign3A_1166 : i32
          %rem3A_1168 = arith.remsi %sub3A_1150, %jit3A_1151 : i32
          %ne3A_1169 = arith.constant 0 : i32
          %ne3A_1170 = arith.cmpi ne, %rem3A_1168, %ne3A_1169 : i32
          %and3A_1171 = arith.andi %ne3A_1167, %ne3A_1170 : i1
          %sub3A_1172 = arith.constant 1 : i32
          %sub3A_1173 = arith.subi %div3A_1152, %sub3A_1172 : i32
          %select_n3A_1174 = arith.select %and3A_1171, %sub3A_1173, %div3A_1152 : i32
          %add3A_1175 = arith.constant 0 : i32
          %add3A_1176 = arith.addi %mul3A_2, %add3A_1175 : i32
          %dma_wait3A_1177 = arith.constant 4 : i32
          %dma_wait3A_1178 = arith.constant 0 : i32
          %dma_wait3A_1179 = arith.constant 0 : i32
          %dma_wait3A_1180 = tpu.memref_slice %arg6[%dma_wait3A_1177, %dma_wait3A_1178, %dma_wait3A_1179] : memref<10x64x128xf32, #tpu.memory_space<vmem>> -> memref<1x64x128xf32, #tpu.memory_space<vmem>>
          %dma_wait3A_1181 = tpu.memref_squeeze %dma_wait3A_1180 : memref<1x64x128xf32, #tpu.memory_space<vmem>> -> memref<64x128xf32, #tpu.memory_space<vmem>>
          %dma_wait3A_1182 = arith.constant 0 : i32
          %dma_wait3A_1183 = tpu.memref_slice %arg4[%select_n3A_1174, %add3A_1176, %dma_wait3A_1182] : memref<50x4096x128xf32, #tpu.memory_space<hbm>> -> memref<1x64x128xf32, #tpu.memory_space<hbm>>
          %dma_wait3A_1184 = tpu.memref_squeeze %dma_wait3A_1183 : memref<1x64x128xf32, #tpu.memory_space<hbm>> -> memref<64x128xf32, #tpu.memory_space<hbm>>
          %dma_wait3A_1185 = arith.constant 0 : i32
          %dma_wait3A_1186 = tpu.memref_slice %arg4[%select_n3A_1174, %add3A_1176, %dma_wait3A_1185] : memref<50x4096x128xf32, #tpu.memory_space<hbm>> -> memref<1x64x128xf32, #tpu.memory_space<hbm>>
          %dma_wait3A_1187 = tpu.memref_squeeze %dma_wait3A_1186 : memref<1x64x128xf32, #tpu.memory_space<hbm>> -> memref<64x128xf32, #tpu.memory_space<hbm>>
          %dma_wait3A_1188 = arith.constant 0 : i32
          %dma_wait3A_1189 = arith.constant 0 : i32
          %dma_wait3A_1190 = tpu.memref_slice %arg6[%dma_wait3A_1177, %dma_wait3A_1188, %dma_wait3A_1189] : memref<10x64x128xf32, #tpu.memory_space<vmem>> -> memref<1x64x128xf32, #tpu.memory_space<vmem>>
          %dma_wait3A_1191 = tpu.memref_squeeze %dma_wait3A_1190 : memref<1x64x128xf32, #tpu.memory_space<vmem>> -> memref<64x128xf32, #tpu.memory_space<vmem>>
          tpu.wait_dma2 semaphore(%arg21 : memref<!tpu.dma_semaphore, #tpu.memory_space<semaphore_mem>>) src(%dma_wait3A_1191 : memref<64x128xf32, #tpu.memory_space<vmem>>) dst(%dma_wait3A_1187 : memref<64x128xf32, #tpu.memory_space<hbm>>)
        } else {
        }
        %add3A_1112 = arith.constant 5 : i32
        %add3A_1113 = arith.addi %add3A_1022, %add3A_1112 : i32
        %jit3A_1114 = arith.constant 2 : i32
        %div3A_1115 = arith.divsi %add3A_1113, %jit3A_1114 : i32
        %sign3A_1116 = arith.constant 0 : i32
        %sign3A_1117 = arith.cmpi sgt, %add3A_1113, %sign3A_1116 : i32
        %sign3A_1118 = arith.extui %sign3A_1117 : i1 to i32
        %sign3A_1119 = arith.constant 0 : i32
        %sign3A_1120 = arith.cmpi slt, %add3A_1113, %sign3A_1119 : i32
        %sign3A_1121 = arith.extui %sign3A_1120 : i1 to i32
        %sign3A_1122 = arith.subi %sign3A_1118, %sign3A_1121 : i32
        %sign3A_1123 = arith.constant 0 : i32
        %sign3A_1124 = arith.cmpi sgt, %jit3A_1114, %sign3A_1123 : i32
        %sign3A_1125 = arith.extui %sign3A_1124 : i1 to i32
        %sign3A_1126 = arith.constant 0 : i32
        %sign3A_1127 = arith.cmpi slt, %jit3A_1114, %sign3A_1126 : i32
        %sign3A_1128 = arith.extui %sign3A_1127 : i1 to i32
        %sign3A_1129 = arith.subi %sign3A_1125, %sign3A_1128 : i32
        %ne3A_1130 = arith.cmpi ne, %sign3A_1122, %sign3A_1129 : i32
        %rem3A_1131 = arith.remsi %add3A_1113, %jit3A_1114 : i32
        %ne3A_1132 = arith.constant 0 : i32
        %ne3A_1133 = arith.cmpi ne, %rem3A_1131, %ne3A_1132 : i32
        %and3A_1134 = arith.andi %ne3A_1130, %ne3A_1133 : i1
        %sub3A_1135 = arith.constant 1 : i32
        %sub3A_1136 = arith.subi %div3A_1115, %sub3A_1135 : i32
        %select_n3A_1137 = arith.select %and3A_1134, %sub3A_1136, %div3A_1115 : i32
        %dma_start3A_1138 = arith.constant 4 : i32
        %dma_start3A_1139 = arith.constant 0 : i32
        %dma_start3A_1140 = arith.constant 0 : i32
        %dma_start3A_1141 = tpu.memref_slice %arg6[%dma_start3A_1138, %dma_start3A_1139, %dma_start3A_1140] : memref<10x64x128xf32, #tpu.memory_space<vmem>> -> memref<1x64x128xf32, #tpu.memory_space<vmem>>
        %dma_start3A_1142 = tpu.memref_squeeze %dma_start3A_1141 : memref<1x64x128xf32, #tpu.memory_space<vmem>> -> memref<64x128xf32, #tpu.memory_space<vmem>>
        %dma_start3A_1143 = arith.constant 0 : i32
        %dma_start3A_1144 = tpu.memref_slice %arg5[%select_n3A_1137, %dma_start3A_1143] : memref<50x128xi32, #tpu.memory_space<vmem>> -> memref<1x64xi32, #tpu.memory_space<vmem>>
        %dma_start3A_1145 = tpu.memref_squeeze %dma_start3A_1144 : memref<1x64xi32, #tpu.memory_space<vmem>> -> memref<64xi32, #tpu.memory_space<vmem>>
        %dma_start3A_1146 = arith.constant 0 : i32
        %dma_start3A_1147 = arith.constant 0 : i32
        %dma_start3A_1148 = tpu.memref_slice %arg3[%dma_start3A_1146, %dma_start3A_1147] : memref<100000x128xf32, #tpu.memory_space<hbm>> -> memref<100000x128xf32, #tpu.memory_space<hbm>>
        tpu.enqueue_indirect_dma source(%dma_start3A_1148 : memref<100000x128xf32, #tpu.memory_space<hbm>>) target(%dma_start3A_1142 : memref<64x128xf32, #tpu.memory_space<vmem>>) offsets(%dma_start3A_1145 : memref<64xi32, #tpu.memory_space<vmem>>) semaphore(%arg11 : memref<!tpu.dma_semaphore, #tpu.memory_space<semaphore_mem>>)
      } else {
      }
    }
    %scan3A_66 = arith.constant 10 : i32
    %add3A_67 = arith.constant 0 : i32
    %add3A_68 = arith.addi %mul3A_2, %add3A_67 : i32
    %dma_wait3A = arith.constant 0 : i32
    %dma_wait3A_69 = arith.constant 45 : i32
    %dma_wait3A_70 = arith.constant 0 : i32
    %dma_wait3A_71 = arith.constant 0 : i32
    %dma_wait3A_72 = tpu.memref_slice %arg6[%dma_wait3A, %dma_wait3A_70, %dma_wait3A_71] : memref<10x64x128xf32, #tpu.memory_space<vmem>> -> memref<1x64x128xf32, #tpu.memory_space<vmem>>
    %dma_wait3A_73 = tpu.memref_squeeze %dma_wait3A_72 : memref<1x64x128xf32, #tpu.memory_space<vmem>> -> memref<64x128xf32, #tpu.memory_space<vmem>>
    %dma_wait3A_74 = arith.constant 0 : i32
    %dma_wait3A_75 = tpu.memref_slice %arg4[%dma_wait3A_69, %add3A_68, %dma_wait3A_74] : memref<50x4096x128xf32, #tpu.memory_space<hbm>> -> memref<1x64x128xf32, #tpu.memory_space<hbm>>
    %dma_wait3A_76 = tpu.memref_squeeze %dma_wait3A_75 : memref<1x64x128xf32, #tpu.memory_space<hbm>> -> memref<64x128xf32, #tpu.memory_space<hbm>>
    %dma_wait3A_77 = arith.constant 0 : i32
    %dma_wait3A_78 = tpu.memref_slice %arg4[%dma_wait3A_69, %add3A_68, %dma_wait3A_77] : memref<50x4096x128xf32, #tpu.memory_space<hbm>> -> memref<1x64x128xf32, #tpu.memory_space<hbm>>
    %dma_wait3A_79 = tpu.memref_squeeze %dma_wait3A_78 : memref<1x64x128xf32, #tpu.memory_space<hbm>> -> memref<64x128xf32, #tpu.memory_space<hbm>>
    %dma_wait3A_80 = arith.constant 0 : i32
    %dma_wait3A_81 = arith.constant 0 : i32
    %dma_wait3A_82 = tpu.memref_slice %arg6[%dma_wait3A, %dma_wait3A_80, %dma_wait3A_81] : memref<10x64x128xf32, #tpu.memory_space<vmem>> -> memref<1x64x128xf32, #tpu.memory_space<vmem>>
    %dma_wait3A_83 = tpu.memref_squeeze %dma_wait3A_82 : memref<1x64x128xf32, #tpu.memory_space<vmem>> -> memref<64x128xf32, #tpu.memory_space<vmem>>
    tpu.wait_dma2 semaphore(%arg17 : memref<!tpu.dma_semaphore, #tpu.memory_space<semaphore_mem>>) src(%dma_wait3A_83 : memref<64x128xf32, #tpu.memory_space<vmem>>) dst(%dma_wait3A_79 : memref<64x128xf32, #tpu.memory_space<hbm>>)
    %add3A_84 = arith.constant 64 : i32
    %add3A_85 = arith.addi %mul3A_2, %add3A_84 : i32
    %dma_wait3A_86 = arith.constant 1 : i32
    %dma_wait3A_87 = arith.constant 45 : i32
    %dma_wait3A_88 = arith.constant 0 : i32
    %dma_wait3A_89 = arith.constant 0 : i32
    %dma_wait3A_90 = tpu.memref_slice %arg6[%dma_wait3A_86, %dma_wait3A_88, %dma_wait3A_89] : memref<10x64x128xf32, #tpu.memory_space<vmem>> -> memref<1x64x128xf32, #tpu.memory_space<vmem>>
    %dma_wait3A_91 = tpu.memref_squeeze %dma_wait3A_90 : memref<1x64x128xf32, #tpu.memory_space<vmem>> -> memref<64x128xf32, #tpu.memory_space<vmem>>
    %dma_wait3A_92 = arith.constant 0 : i32
    %dma_wait3A_93 = tpu.memref_slice %arg4[%dma_wait3A_87, %add3A_85, %dma_wait3A_92] : memref<50x4096x128xf32, #tpu.memory_space<hbm>> -> memref<1x64x128xf32, #tpu.memory_space<hbm>>
    %dma_wait3A_94 = tpu.memref_squeeze %dma_wait3A_93 : memref<1x64x128xf32, #tpu.memory_space<hbm>> -> memref<64x128xf32, #tpu.memory_space<hbm>>
    %dma_wait3A_95 = arith.constant 0 : i32
    %dma_wait3A_96 = tpu.memref_slice %arg4[%dma_wait3A_87, %add3A_85, %dma_wait3A_95] : memref<50x4096x128xf32, #tpu.memory_space<hbm>> -> memref<1x64x128xf32, #tpu.memory_space<hbm>>
    %dma_wait3A_97 = tpu.memref_squeeze %dma_wait3A_96 : memref<1x64x128xf32, #tpu.memory_space<hbm>> -> memref<64x128xf32, #tpu.memory_space<hbm>>
    %dma_wait3A_98 = arith.constant 0 : i32
    %dma_wait3A_99 = arith.constant 0 : i32
    %dma_wait3A_100 = tpu.memref_slice %arg6[%dma_wait3A_86, %dma_wait3A_98, %dma_wait3A_99] : memref<10x64x128xf32, #tpu.memory_space<vmem>> -> memref<1x64x128xf32, #tpu.memory_space<vmem>>
    %dma_wait3A_101 = tpu.memref_squeeze %dma_wait3A_100 : memref<1x64x128xf32, #tpu.memory_space<vmem>> -> memref<64x128xf32, #tpu.memory_space<vmem>>
    tpu.wait_dma2 semaphore(%arg18 : memref<!tpu.dma_semaphore, #tpu.memory_space<semaphore_mem>>) src(%dma_wait3A_101 : memref<64x128xf32, #tpu.memory_space<vmem>>) dst(%dma_wait3A_97 : memref<64x128xf32, #tpu.memory_space<hbm>>)
    %add3A_102 = arith.constant 0 : i32
    %add3A_103 = arith.addi %mul3A_2, %add3A_102 : i32
    %dma_wait3A_104 = arith.constant 2 : i32
    %dma_wait3A_105 = arith.constant 46 : i32
    %dma_wait3A_106 = arith.constant 0 : i32
    %dma_wait3A_107 = arith.constant 0 : i32
    %dma_wait3A_108 = tpu.memref_slice %arg6[%dma_wait3A_104, %dma_wait3A_106, %dma_wait3A_107] : memref<10x64x128xf32, #tpu.memory_space<vmem>> -> memref<1x64x128xf32, #tpu.memory_space<vmem>>
    %dma_wait3A_109 = tpu.memref_squeeze %dma_wait3A_108 : memref<1x64x128xf32, #tpu.memory_space<vmem>> -> memref<64x128xf32, #tpu.memory_space<vmem>>
    %dma_wait3A_110 = arith.constant 0 : i32
    %dma_wait3A_111 = tpu.memref_slice %arg4[%dma_wait3A_105, %add3A_103, %dma_wait3A_110] : memref<50x4096x128xf32, #tpu.memory_space<hbm>> -> memref<1x64x128xf32, #tpu.memory_space<hbm>>
    %dma_wait3A_112 = tpu.memref_squeeze %dma_wait3A_111 : memref<1x64x128xf32, #tpu.memory_space<hbm>> -> memref<64x128xf32, #tpu.memory_space<hbm>>
    %dma_wait3A_113 = arith.constant 0 : i32
    %dma_wait3A_114 = tpu.memref_slice %arg4[%dma_wait3A_105, %add3A_103, %dma_wait3A_113] : memref<50x4096x128xf32, #tpu.memory_space<hbm>> -> memref<1x64x128xf32, #tpu.memory_space<hbm>>
    %dma_wait3A_115 = tpu.memref_squeeze %dma_wait3A_114 : memref<1x64x128xf32, #tpu.memory_space<hbm>> -> memref<64x128xf32, #tpu.memory_space<hbm>>
    %dma_wait3A_116 = arith.constant 0 : i32
    %dma_wait3A_117 = arith.constant 0 : i32
    %dma_wait3A_118 = tpu.memref_slice %arg6[%dma_wait3A_104, %dma_wait3A_116, %dma_wait3A_117] : memref<10x64x128xf32, #tpu.memory_space<vmem>> -> memref<1x64x128xf32, #tpu.memory_space<vmem>>
    %dma_wait3A_119 = tpu.memref_squeeze %dma_wait3A_118 : memref<1x64x128xf32, #tpu.memory_space<vmem>> -> memref<64x128xf32, #tpu.memory_space<vmem>>
    tpu.wait_dma2 semaphore(%arg19 : memref<!tpu.dma_semaphore, #tpu.memory_space<semaphore_mem>>) src(%dma_wait3A_119 : memref<64x128xf32, #tpu.memory_space<vmem>>) dst(%dma_wait3A_115 : memref<64x128xf32, #tpu.memory_space<hbm>>)
    %add3A_120 = arith.constant 64 : i32
    %add3A_121 = arith.addi %mul3A_2, %add3A_120 : i32
    %dma_wait3A_122 = arith.constant 3 : i32
    %dma_wait3A_123 = arith.constant 46 : i32
    %dma_wait3A_124 = arith.constant 0 : i32
    %dma_wait3A_125 = arith.constant 0 : i32
    %dma_wait3A_126 = tpu.memref_slice %arg6[%dma_wait3A_122, %dma_wait3A_124, %dma_wait3A_125] : memref<10x64x128xf32, #tpu.memory_space<vmem>> -> memref<1x64x128xf32, #tpu.memory_space<vmem>>
    %dma_wait3A_127 = tpu.memref_squeeze %dma_wait3A_126 : memref<1x64x128xf32, #tpu.memory_space<vmem>> -> memref<64x128xf32, #tpu.memory_space<vmem>>
    %dma_wait3A_128 = arith.constant 0 : i32
    %dma_wait3A_129 = tpu.memref_slice %arg4[%dma_wait3A_123, %add3A_121, %dma_wait3A_128] : memref<50x4096x128xf32, #tpu.memory_space<hbm>> -> memref<1x64x128xf32, #tpu.memory_space<hbm>>
    %dma_wait3A_130 = tpu.memref_squeeze %dma_wait3A_129 : memref<1x64x128xf32, #tpu.memory_space<hbm>> -> memref<64x128xf32, #tpu.memory_space<hbm>>
    %dma_wait3A_131 = arith.constant 0 : i32
    %dma_wait3A_132 = tpu.memref_slice %arg4[%dma_wait3A_123, %add3A_121, %dma_wait3A_131] : memref<50x4096x128xf32, #tpu.memory_space<hbm>> -> memref<1x64x128xf32, #tpu.memory_space<hbm>>
    %dma_wait3A_133 = tpu.memref_squeeze %dma_wait3A_132 : memref<1x64x128xf32, #tpu.memory_space<hbm>> -> memref<64x128xf32, #tpu.memory_space<hbm>>
    %dma_wait3A_134 = arith.constant 0 : i32
    %dma_wait3A_135 = arith.constant 0 : i32
    %dma_wait3A_136 = tpu.memref_slice %arg6[%dma_wait3A_122, %dma_wait3A_134, %dma_wait3A_135] : memref<10x64x128xf32, #tpu.memory_space<vmem>> -> memref<1x64x128xf32, #tpu.memory_space<vmem>>
    %dma_wait3A_137 = tpu.memref_squeeze %dma_wait3A_136 : memref<1x64x128xf32, #tpu.memory_space<vmem>> -> memref<64x128xf32, #tpu.memory_space<vmem>>
    tpu.wait_dma2 semaphore(%arg20 : memref<!tpu.dma_semaphore, #tpu.memory_space<semaphore_mem>>) src(%dma_wait3A_137 : memref<64x128xf32, #tpu.memory_space<vmem>>) dst(%dma_wait3A_133 : memref<64x128xf32, #tpu.memory_space<hbm>>)
    %add3A_138 = arith.constant 0 : i32
    %add3A_139 = arith.addi %mul3A_2, %add3A_138 : i32
    %dma_wait3A_140 = arith.constant 4 : i32
    %dma_wait3A_141 = arith.constant 47 : i32
    %dma_wait3A_142 = arith.constant 0 : i32
    %dma_wait3A_143 = arith.constant 0 : i32
    %dma_wait3A_144 = tpu.memref_slice %arg6[%dma_wait3A_140, %dma_wait3A_142, %dma_wait3A_143] : memref<10x64x128xf32, #tpu.memory_space<vmem>> -> memref<1x64x128xf32, #tpu.memory_space<vmem>>
    %dma_wait3A_145 = tpu.memref_squeeze %dma_wait3A_144 : memref<1x64x128xf32, #tpu.memory_space<vmem>> -> memref<64x128xf32, #tpu.memory_space<vmem>>
    %dma_wait3A_146 = arith.constant 0 : i32
    %dma_wait3A_147 = tpu.memref_slice %arg4[%dma_wait3A_141, %add3A_139, %dma_wait3A_146] : memref<50x4096x128xf32, #tpu.memory_space<hbm>> -> memref<1x64x128xf32, #tpu.memory_space<hbm>>
    %dma_wait3A_148 = tpu.memref_squeeze %dma_wait3A_147 : memref<1x64x128xf32, #tpu.memory_space<hbm>> -> memref<64x128xf32, #tpu.memory_space<hbm>>
    %dma_wait3A_149 = arith.constant 0 : i32
    %dma_wait3A_150 = tpu.memref_slice %arg4[%dma_wait3A_141, %add3A_139, %dma_wait3A_149] : memref<50x4096x128xf32, #tpu.memory_space<hbm>> -> memref<1x64x128xf32, #tpu.memory_space<hbm>>
    %dma_wait3A_151 = tpu.memref_squeeze %dma_wait3A_150 : memref<1x64x128xf32, #tpu.memory_space<hbm>> -> memref<64x128xf32, #tpu.memory_space<hbm>>
    %dma_wait3A_152 = arith.constant 0 : i32
    %dma_wait3A_153 = arith.constant 0 : i32
    %dma_wait3A_154 = tpu.memref_slice %arg6[%dma_wait3A_140, %dma_wait3A_152, %dma_wait3A_153] : memref<10x64x128xf32, #tpu.memory_space<vmem>> -> memref<1x64x128xf32, #tpu.memory_space<vmem>>
    %dma_wait3A_155 = tpu.memref_squeeze %dma_wait3A_154 : memref<1x64x128xf32, #tpu.memory_space<vmem>> -> memref<64x128xf32, #tpu.memory_space<vmem>>
    tpu.wait_dma2 semaphore(%arg21 : memref<!tpu.dma_semaphore, #tpu.memory_space<semaphore_mem>>) src(%dma_wait3A_155 : memref<64x128xf32, #tpu.memory_space<vmem>>) dst(%dma_wait3A_151 : memref<64x128xf32, #tpu.memory_space<hbm>>)
    %add3A_156 = arith.constant 64 : i32
    %add3A_157 = arith.addi %mul3A_2, %add3A_156 : i32
    %dma_wait3A_158 = arith.constant 5 : i32
    %dma_wait3A_159 = arith.constant 47 : i32
    %dma_wait3A_160 = arith.constant 0 : i32
    %dma_wait3A_161 = arith.constant 0 : i32
    %dma_wait3A_162 = tpu.memref_slice %arg6[%dma_wait3A_158, %dma_wait3A_160, %dma_wait3A_161] : memref<10x64x128xf32, #tpu.memory_space<vmem>> -> memref<1x64x128xf32, #tpu.memory_space<vmem>>
    %dma_wait3A_163 = tpu.memref_squeeze %dma_wait3A_162 : memref<1x64x128xf32, #tpu.memory_space<vmem>> -> memref<64x128xf32, #tpu.memory_space<vmem>>
    %dma_wait3A_164 = arith.constant 0 : i32
    %dma_wait3A_165 = tpu.memref_slice %arg4[%dma_wait3A_159, %add3A_157, %dma_wait3A_164] : memref<50x4096x128xf32, #tpu.memory_space<hbm>> -> memref<1x64x128xf32, #tpu.memory_space<hbm>>
    %dma_wait3A_166 = tpu.memref_squeeze %dma_wait3A_165 : memref<1x64x128xf32, #tpu.memory_space<hbm>> -> memref<64x128xf32, #tpu.memory_space<hbm>>
    %dma_wait3A_167 = arith.constant 0 : i32
    %dma_wait3A_168 = tpu.memref_slice %arg4[%dma_wait3A_159, %add3A_157, %dma_wait3A_167] : memref<50x4096x128xf32, #tpu.memory_space<hbm>> -> memref<1x64x128xf32, #tpu.memory_space<hbm>>
    %dma_wait3A_169 = tpu.memref_squeeze %dma_wait3A_168 : memref<1x64x128xf32, #tpu.memory_space<hbm>> -> memref<64x128xf32, #tpu.memory_space<hbm>>
    %dma_wait3A_170 = arith.constant 0 : i32
    %dma_wait3A_171 = arith.constant 0 : i32
    %dma_wait3A_172 = tpu.memref_slice %arg6[%dma_wait3A_158, %dma_wait3A_170, %dma_wait3A_171] : memref<10x64x128xf32, #tpu.memory_space<vmem>> -> memref<1x64x128xf32, #tpu.memory_space<vmem>>
    %dma_wait3A_173 = tpu.memref_squeeze %dma_wait3A_172 : memref<1x64x128xf32, #tpu.memory_space<vmem>> -> memref<64x128xf32, #tpu.memory_space<vmem>>
    tpu.wait_dma2 semaphore(%arg22 : memref<!tpu.dma_semaphore, #tpu.memory_space<semaphore_mem>>) src(%dma_wait3A_173 : memref<64x128xf32, #tpu.memory_space<vmem>>) dst(%dma_wait3A_169 : memref<64x128xf32, #tpu.memory_space<hbm>>)
    %add3A_174 = arith.constant 0 : i32
    %add3A_175 = arith.addi %mul3A_2, %add3A_174 : i32
    %dma_wait3A_176 = arith.constant 6 : i32
    %dma_wait3A_177 = arith.constant 48 : i32
    %dma_wait3A_178 = arith.constant 0 : i32
    %dma_wait3A_179 = arith.constant 0 : i32
    %dma_wait3A_180 = tpu.memref_slice %arg6[%dma_wait3A_176, %dma_wait3A_178, %dma_wait3A_179] : memref<10x64x128xf32, #tpu.memory_space<vmem>> -> memref<1x64x128xf32, #tpu.memory_space<vmem>>
    %dma_wait3A_181 = tpu.memref_squeeze %dma_wait3A_180 : memref<1x64x128xf32, #tpu.memory_space<vmem>> -> memref<64x128xf32, #tpu.memory_space<vmem>>
    %dma_wait3A_182 = arith.constant 0 : i32
    %dma_wait3A_183 = tpu.memref_slice %arg4[%dma_wait3A_177, %add3A_175, %dma_wait3A_182] : memref<50x4096x128xf32, #tpu.memory_space<hbm>> -> memref<1x64x128xf32, #tpu.memory_space<hbm>>
    %dma_wait3A_184 = tpu.memref_squeeze %dma_wait3A_183 : memref<1x64x128xf32, #tpu.memory_space<hbm>> -> memref<64x128xf32, #tpu.memory_space<hbm>>
    %dma_wait3A_185 = arith.constant 0 : i32
    %dma_wait3A_186 = tpu.memref_slice %arg4[%dma_wait3A_177, %add3A_175, %dma_wait3A_185] : memref<50x4096x128xf32, #tpu.memory_space<hbm>> -> memref<1x64x128xf32, #tpu.memory_space<hbm>>
    %dma_wait3A_187 = tpu.memref_squeeze %dma_wait3A_186 : memref<1x64x128xf32, #tpu.memory_space<hbm>> -> memref<64x128xf32, #tpu.memory_space<hbm>>
    %dma_wait3A_188 = arith.constant 0 : i32
    %dma_wait3A_189 = arith.constant 0 : i32
    %dma_wait3A_190 = tpu.memref_slice %arg6[%dma_wait3A_176, %dma_wait3A_188, %dma_wait3A_189] : memref<10x64x128xf32, #tpu.memory_space<vmem>> -> memref<1x64x128xf32, #tpu.memory_space<vmem>>
    %dma_wait3A_191 = tpu.memref_squeeze %dma_wait3A_190 : memref<1x64x128xf32, #tpu.memory_space<vmem>> -> memref<64x128xf32, #tpu.memory_space<vmem>>
    tpu.wait_dma2 semaphore(%arg23 : memref<!tpu.dma_semaphore, #tpu.memory_space<semaphore_mem>>) src(%dma_wait3A_191 : memref<64x128xf32, #tpu.memory_space<vmem>>) dst(%dma_wait3A_187 : memref<64x128xf32, #tpu.memory_space<hbm>>)
    %add3A_192 = arith.constant 64 : i32
    %add3A_193 = arith.addi %mul3A_2, %add3A_192 : i32
    %dma_wait3A_194 = arith.constant 7 : i32
    %dma_wait3A_195 = arith.constant 48 : i32
    %dma_wait3A_196 = arith.constant 0 : i32
    %dma_wait3A_197 = arith.constant 0 : i32
    %dma_wait3A_198 = tpu.memref_slice %arg6[%dma_wait3A_194, %dma_wait3A_196, %dma_wait3A_197] : memref<10x64x128xf32, #tpu.memory_space<vmem>> -> memref<1x64x128xf32, #tpu.memory_space<vmem>>
    %dma_wait3A_199 = tpu.memref_squeeze %dma_wait3A_198 : memref<1x64x128xf32, #tpu.memory_space<vmem>> -> memref<64x128xf32, #tpu.memory_space<vmem>>
    %dma_wait3A_200 = arith.constant 0 : i32
    %dma_wait3A_201 = tpu.memref_slice %arg4[%dma_wait3A_195, %add3A_193, %dma_wait3A_200] : memref<50x4096x128xf32, #tpu.memory_space<hbm>> -> memref<1x64x128xf32, #tpu.memory_space<hbm>>
    %dma_wait3A_202 = tpu.memref_squeeze %dma_wait3A_201 : memref<1x64x128xf32, #tpu.memory_space<hbm>> -> memref<64x128xf32, #tpu.memory_space<hbm>>
    %dma_wait3A_203 = arith.constant 0 : i32
    %dma_wait3A_204 = tpu.memref_slice %arg4[%dma_wait3A_195, %add3A_193, %dma_wait3A_203] : memref<50x4096x128xf32, #tpu.memory_space<hbm>> -> memref<1x64x128xf32, #tpu.memory_space<hbm>>
    %dma_wait3A_205 = tpu.memref_squeeze %dma_wait3A_204 : memref<1x64x128xf32, #tpu.memory_space<hbm>> -> memref<64x128xf32, #tpu.memory_space<hbm>>
    %dma_wait3A_206 = arith.constant 0 : i32
    %dma_wait3A_207 = arith.constant 0 : i32
    %dma_wait3A_208 = tpu.memref_slice %arg6[%dma_wait3A_194, %dma_wait3A_206, %dma_wait3A_207] : memref<10x64x128xf32, #tpu.memory_space<vmem>> -> memref<1x64x128xf32, #tpu.memory_space<vmem>>
    %dma_wait3A_209 = tpu.memref_squeeze %dma_wait3A_208 : memref<1x64x128xf32, #tpu.memory_space<vmem>> -> memref<64x128xf32, #tpu.memory_space<vmem>>
    tpu.wait_dma2 semaphore(%arg24 : memref<!tpu.dma_semaphore, #tpu.memory_space<semaphore_mem>>) src(%dma_wait3A_209 : memref<64x128xf32, #tpu.memory_space<vmem>>) dst(%dma_wait3A_205 : memref<64x128xf32, #tpu.memory_space<hbm>>)
    %add3A_210 = arith.constant 0 : i32
    %add3A_211 = arith.addi %mul3A_2, %add3A_210 : i32
    %dma_wait3A_212 = arith.constant 8 : i32
    %dma_wait3A_213 = arith.constant 49 : i32
    %dma_wait3A_214 = arith.constant 0 : i32
    %dma_wait3A_215 = arith.constant 0 : i32
    %dma_wait3A_216 = tpu.memref_slice %arg6[%dma_wait3A_212, %dma_wait3A_214, %dma_wait3A_215] : memref<10x64x128xf32, #tpu.memory_space<vmem>> -> memref<1x64x128xf32, #tpu.memory_space<vmem>>
    %dma_wait3A_217 = tpu.memref_squeeze %dma_wait3A_216 : memref<1x64x128xf32, #tpu.memory_space<vmem>> -> memref<64x128xf32, #tpu.memory_space<vmem>>
    %dma_wait3A_218 = arith.constant 0 : i32
    %dma_wait3A_219 = tpu.memref_slice %arg4[%dma_wait3A_213, %add3A_211, %dma_wait3A_218] : memref<50x4096x128xf32, #tpu.memory_space<hbm>> -> memref<1x64x128xf32, #tpu.memory_space<hbm>>
    %dma_wait3A_220 = tpu.memref_squeeze %dma_wait3A_219 : memref<1x64x128xf32, #tpu.memory_space<hbm>> -> memref<64x128xf32, #tpu.memory_space<hbm>>
    %dma_wait3A_221 = arith.constant 0 : i32
    %dma_wait3A_222 = tpu.memref_slice %arg4[%dma_wait3A_213, %add3A_211, %dma_wait3A_221] : memref<50x4096x128xf32, #tpu.memory_space<hbm>> -> memref<1x64x128xf32, #tpu.memory_space<hbm>>
    %dma_wait3A_223 = tpu.memref_squeeze %dma_wait3A_222 : memref<1x64x128xf32, #tpu.memory_space<hbm>> -> memref<64x128xf32, #tpu.memory_space<hbm>>
    %dma_wait3A_224 = arith.constant 0 : i32
    %dma_wait3A_225 = arith.constant 0 : i32
    %dma_wait3A_226 = tpu.memref_slice %arg6[%dma_wait3A_212, %dma_wait3A_224, %dma_wait3A_225] : memref<10x64x128xf32, #tpu.memory_space<vmem>> -> memref<1x64x128xf32, #tpu.memory_space<vmem>>
    %dma_wait3A_227 = tpu.memref_squeeze %dma_wait3A_226 : memref<1x64x128xf32, #tpu.memory_space<vmem>> -> memref<64x128xf32, #tpu.memory_space<vmem>>
    tpu.wait_dma2 semaphore(%arg25 : memref<!tpu.dma_semaphore, #tpu.memory_space<semaphore_mem>>) src(%dma_wait3A_227 : memref<64x128xf32, #tpu.memory_space<vmem>>) dst(%dma_wait3A_223 : memref<64x128xf32, #tpu.memory_space<hbm>>)
    %add3A_228 = arith.constant 64 : i32
    %add3A_229 = arith.addi %mul3A_2, %add3A_228 : i32
    %dma_wait3A_230 = arith.constant 9 : i32
    %dma_wait3A_231 = arith.constant 49 : i32
    %dma_wait3A_232 = arith.constant 0 : i32
    %dma_wait3A_233 = arith.constant 0 : i32
    %dma_wait3A_234 = tpu.memref_slice %arg6[%dma_wait3A_230, %dma_wait3A_232, %dma_wait3A_233] : memref<10x64x128xf32, #tpu.memory_space<vmem>> -> memref<1x64x128xf32, #tpu.memory_space<vmem>>
    %dma_wait3A_235 = tpu.memref_squeeze %dma_wait3A_234 : memref<1x64x128xf32, #tpu.memory_space<vmem>> -> memref<64x128xf32, #tpu.memory_space<vmem>>
    %dma_wait3A_236 = arith.constant 0 : i32
    %dma_wait3A_237 = tpu.memref_slice %arg4[%dma_wait3A_231, %add3A_229, %dma_wait3A_236] : memref<50x4096x128xf32, #tpu.memory_space<hbm>> -> memref<1x64x128xf32, #tpu.memory_space<hbm>>
    %dma_wait3A_238 = tpu.memref_squeeze %dma_wait3A_237 : memref<1x64x128xf32, #tpu.memory_space<hbm>> -> memref<64x128xf32, #tpu.memory_space<hbm>>
    %dma_wait3A_239 = arith.constant 0 : i32
    %dma_wait3A_240 = tpu.memref_slice %arg4[%dma_wait3A_231, %add3A_229, %dma_wait3A_239] : memref<50x4096x128xf32, #tpu.memory_space<hbm>> -> memref<1x64x128xf32, #tpu.memory_space<hbm>>
    %dma_wait3A_241 = tpu.memref_squeeze %dma_wait3A_240 : memref<1x64x128xf32, #tpu.memory_space<hbm>> -> memref<64x128xf32, #tpu.memory_space<hbm>>
    %dma_wait3A_242 = arith.constant 0 : i32
    %dma_wait3A_243 = arith.constant 0 : i32
    %dma_wait3A_244 = tpu.memref_slice %arg6[%dma_wait3A_230, %dma_wait3A_242, %dma_wait3A_243] : memref<10x64x128xf32, #tpu.memory_space<vmem>> -> memref<1x64x128xf32, #tpu.memory_space<vmem>>
    %dma_wait3A_245 = tpu.memref_squeeze %dma_wait3A_244 : memref<1x64x128xf32, #tpu.memory_space<vmem>> -> memref<64x128xf32, #tpu.memory_space<vmem>>
    tpu.wait_dma2 semaphore(%arg26 : memref<!tpu.dma_semaphore, #tpu.memory_space<semaphore_mem>>) src(%dma_wait3A_245 : memref<64x128xf32, #tpu.memory_space<vmem>>) dst(%dma_wait3A_241 : memref<64x128xf32, #tpu.memory_space<hbm>>)
    return
  }
}

</mosaic_0001>

<sc_bundles>
// kernel: _sc_gather.3.cloned.1.call-start
scs
__scs_entry_jumppad:
0x0: {  	(pc) =	sbr.rel $0x88, $3  }
0x1: {  	(tag) =	ssettag $0x0;
	lr =	simm.s32 $0x1  }
0x2: {  	[smem:$0x3F9F] =	sst lr;
	_ =	strace $0xD0000000  }
0x3: {  	_ = 	snop  }
0x4: {  	_ = 	snop  }
0x5: {  	_ = 	snop  }
0x6: {  	_ = 	snop  }
0x7: {  	_ = 	snop  }
__scs_overlays_trampoline_lowered:
0x8: {  	[smem:$0x3FAE] =	sst s0  }
0x9: {  	[smem:$0x3FAF] =	sst s1  }
0xa: {  	[smem:$0x3FB0] =	sst s2  }
0xb: {  	[smem:$0x3FB1] =	sst s3  }
0xc: {  	[smem:$0x3FB2] =	sst s4  }
0xd: {  	[smem:$0x3FB3] =	sst s5  }
0xe: {  	[smem:$0x3FB4] =	sst s6  }
0xf: {  	[smem:$0x3FB5] =	sst s7  }
0x10: {  	[smem:$0x3FB6] =	sst s8  }
0x11: {  	[smem:$0x3FB7] =	sst s9;
	s0 =	simm.s32 @!p0 $0x0  }
0x12: {  	s1 =	sld [smem:$0x3F9D];
	s0 =	simm.s32 @p0 $0x1  }
0x13: {  	[smem:$0x3FB8] =	sst s0;
	s0 =	simm.s32 @!p1 $0x0  }
0x14: {  	s2 =	sld [smem:$0x3F9C];
	s0 =	simm.s32 @p1 $0x1  }
0x15: {  	[smem:$0x3FB9] =	sst s0;
	s0 =	simm.s32 @!p2 $0x0  }
0x16: {  	s3 =	sld [smem:$0x3FDB];
	s0 =	simm.s32 @p2 $0x1  }
0x17: {  	s4 =	simm.s32 $0x1BF5;
	[smem:$0x3FBB] =	sst s0  }
0x18: {  	s0 =	sld [smem:$0x3F9E];
	_ =	swait.ge [sflag:s4], $0x0  }
0x19: {  	s7 =	sld [smem:$0x3F9F]  }
0x1a: {  	s8 =	sadd.s32 $0xFFFFE003, lr  }
0x1b: {  	s9 =	sadd.s32 $0xFFFFFEF7, lr;
	s5 =	simm.s32 $0xFFFFFFFF;
	p2 =	slt.u32 s8, $0xFFFFF086  }
0x1c: {  	p1 =	slt.u32 s9, $0xF7A;
	s5 =	simm.s32 @!p2 $0x0  }
0x1d: {  	s5 =	simm.s32 @p1 $0x1;
	p0 =	seq.s32 s7, s2  }
0x1e: {  	s7 =	smul.u32 @!p0 $0xF7A, s2;
	p2 =	seq.s32 @!p0 s5, $0x0  }
0x1f: {  	s9 =	smul.u32 $0xF7A, s1;
	s8 =	simm.s32 @!p0 $0x1BF5;
	p2 =	por !p2, p0  }
0x20: {  	[sflag:s8] =	ssyncset.s32 @!p0 $0xFFFFF086;
	s6 =	sadd.s32 @!p0 s3, s7;
	s7 =	simm.s32 @!p0 $0x108  }
0x21: {  	s3 =	sadd.s32 s3, s9;
	s6 =	sadd.s32 @!p0 $0x88, s6;
	s7 =	simm.s32 @p2 $0x1082  }
0x22: {  	[simem:s7], [sflag:s8] =	dma.local @!p0 [hbm:s6], $0xF7A  }
0x23: {  	s9 =	sor.u32 $0xD0000000, s2;
	s6 =	simm.s32 $0x108;
	_ =	swait.ge @!p0 [sflag:s8], $0x0  }
0x24: {  	s3 =	sadd.s32 $0x88, s3;
	s6 =	simm.s32 @!p1 $0x1082;
	[sflag:s4] =	ssyncset.s32 $0xFFFFF086  }
0x25: {  	[simem:s6], [sflag:s4] =	dma.local [hbm:s3], $0xF7A  }
0x26: {  	[smem:$0x3F9F] =	sst s1;
	(tag) =	ssettag s2;
	_ =	strace s9  }
0x27: {  	s1 =	sld [smem:$0x3FAF]  }
0x28: {  	s2 =	sld [smem:$0x3FB0]  }
0x29: {  	s4 =	sld [smem:$0x3FB2]  }
0x2a: {  	p0 =	seq.s32 s5, $0x0;
	s5 =	sld [smem:$0x3FB3]  }
0x2b: {  	s6 =	sld [smem:$0x3FB4]  }
0x2c: {  	s7 =	sld [smem:$0x3FB5]  }
0x2d: {  	s3 =	simm.s32 $0x108;
	s8 =	sld [smem:$0x3FB6]  }
0x2e: {  	s3 =	simm.s32 @!p0 $0x1082;
	s9 =	sld [smem:$0x3FB7]  }
0x2f: {  	lr =	sadd.s32 s0, s3;
	s0 =	sld [smem:$0x3FAE]  }
0x30: {  	s3 =	sld [smem:$0x3FB1]  }
0x31: {  	[smem:$0x3FBA] =	sst s10  }
0x32: {  	s10 =	sld [smem:$0x3FB8];
	_ =	sdelay $0x3  }
0x33: {  	p0 =	seq.s32 s10, $0x1;
	s10 =	sld [smem:$0x3FBA];
	_ =	sdelay $0x3  }
0x34: {  	[smem:$0x3FBA] =	sst s10  }
0x35: {  	s10 =	sld [smem:$0x3FB9];
	_ =	sdelay $0x3  }
0x36: {  	p1 =	seq.s32 s10, $0x1;
	s10 =	sld [smem:$0x3FBA];
	_ =	sdelay $0x3  }
0x37: {  	[smem:$0x3FBA] =	sst s10  }
0x38: {  	s10 =	sld [smem:$0x3FBB]  }
0x39: {  	_ = 	snop;
	(pc) =	sbr.ind lr, $3  }
0x3a: {  	_ = 	snop  }
0x3b: {  	_ = 	snop  }
0x3c: {  	p2 =	seq.s32 s10, $0x1;
	s10 =	sld [smem:$0x3FBA]  }
0x3d: {  	_ =	shalt  }
0x3e: {  	_ =	shalt  }
0x3f: {  	_ =	shalt  }
0x40: {  	_ =	shalt  }
0x41: {  	_ =	shalt  }
0x42: {  	_ =	shalt  }
0x43: {  	_ =	shalt  }
0x44: {  	_ =	shalt  }
0x45: {  	_ =	shalt  }
0x46: {  	_ =	shalt  }
0x47: {  	_ =	shalt  }
0x48: {  	_ =	shalt  }
0x49: {  	_ =	shalt  }
0x4a: {  	_ =	shalt  }
0x4b: {  	_ =	shalt  }
0x4c: {  	_ =	shalt  }
0x4d: {  	_ =	shalt  }
0x4e: {  	_ =	shalt  }
0x4f: {  	_ =	shalt  }
0x50: {  	_ =	shalt  }
0x51: {  	_ =	shalt  }
0x52: {  	_ =	shalt  }
0x53: {  	_ =	shalt  }
0x54: {  	_ =	shalt  }
0x55: {  	_ =	shalt  }
0x56: {  	_ =	shalt  }
0x57: {  	_ =	shalt  }
0x58: {  	_ =	shalt  }
0x59: {  	_ =	shalt  }
0x5a: {  	_ =	shalt  }
0x5b: {  	_ =	shalt  }
0x5c: {  	_ =	shalt  }
0x5d: {  	_ =	shalt  }
0x5e: {  	_ =	shalt  }
0x5f: {  	_ =	shalt  }
0x60: {  	_ =	shalt  }
0x61: {  	_ =	shalt  }
0x62: {  	_ =	shalt  }
0x63: {  	_ =	shalt  }
0x64: {  	_ =	shalt  }
0x65: {  	_ =	shalt  }
0x66: {  	_ =	shalt  }
0x67: {  	_ =	shalt  }
0x68: {  	_ =	shalt  }
0x69: {  	_ =	shalt  }
0x6a: {  	_ =	shalt  }
0x6b: {  	_ =	shalt  }
0x6c: {  	_ =	shalt  }
0x6d: {  	_ =	shalt  }
0x6e: {  	_ =	shalt  }
0x6f: {  	_ =	shalt  }
0x70: {  	_ =	shalt  }
0x71: {  	_ =	shalt  }
0x72: {  	_ =	shalt  }
0x73: {  	_ =	shalt  }
0x74: {  	_ =	shalt  }
0x75: {  	_ =	shalt  }
0x76: {  	_ =	shalt  }
0x77: {  	_ =	shalt  }
0x78: {  	_ =	shalt  }
0x79: {  	_ =	shalt  }
0x7a: {  	_ =	shalt  }
0x7b: {  	_ =	shalt  }
0x7c: {  	_ =	shalt  }
0x7d: {  	_ =	shalt  }
0x7e: {  	_ =	shalt  }
0x7f: {  	_ =	shalt  }
0x80: {  	_ =	shalt  }
0x81: {  	_ =	shalt  }
0x82: {  	_ =	shalt  }
0x83: {  	_ =	shalt  }
0x84: {  	_ =	shalt  }
0x85: {  	_ =	shalt  }
0x86: {  	_ =	shalt  }
0x87: {  	_ =	shalt  }
.Lfunc_end0:
.L_simem_size_0:
called_computation_lowered:
.L_overlay_start_0:
0x88: {  	s2 =	sld [smem:$0x3FD9]  }
0x89: {  	s3 =	sld [smem:$0x3FFE];
	_ =	sdelay $0x1  }
0x8a: {  	s1 =	srdreg.scid  }
0x8b: {  	s0 =	sand.u32 $0x1, s1  }
0x8c: {  	s18 =	sshll.u32 s0, $0xA;
	s2 =	sadd.s32 s3, s2  }
0x8d: {  	s2 =	sadd.s32 s2, s18  }
0x8e: {  	[smem:$0x3FC6] =	sst s2  }
0x8f: {  	_ = 	snop  }
0x90: {  	s2 =	sld [smem:$0x3FC9]  }
0x91: {  	s19 =	sld [smem:$0x3FC8]  }
0x92: {  	s4 =	sld [smem:$0x3FD0];
	(tm) =	ssettm $0x1  }
0x93: {  	s5 =	sld [smem:$0x3FFB];
	_ =	sdelay $0x3  }
0x94: {  	_ =	strace s5  }
0x95: {  	s5 =	sld [smem:$0x3FFC];
	_ =	sdelay $0x3  }
0x96: {  	_ =	strace s5  }
0x97: {  	s5 =	sld [smem:$0x3FFD];
	_ =	sdelay $0x3  }
0x98: {  	_ =	strace s5  }
0x99: {  	_ =	strace $0x8FFFFFFF  }
0x9a: {  	s20 =	sld [smem:$0x3FDB];
	_ =	sdelay $0x1  }
0x9b: {  	s6 =	simm.s32 $_scs_section_size  }
0x9c: {  	s7 =	simm.s32 $_size__tile_overlayer_lowered;
	s8 =	simm.s32 $_tile_overlayer_lowered  }
0x9d: {  	s23 =	simm.s32 $0x1BFF;
	s22 =	sshll.u32 s8, $0x1;
	s5 =	sadd.s32 s6, s20  }
0x9e: {  	s9 =	simm.s32 $0x0;
	s21 =	sshll.u32 s7, $0x1;
	s7 =	sadd.s32 s22, s5  }
0x9f: {  	[timem:s9], [sflag:s23] =	dma.local [hbm:s7], s21  }
0xa0: {  	_ =	swait.ge [sflag:s23], s21  }
0xa1: {  	s6 =	ssub.s32 $0x0, s21;
	[sflag:s23] =	ssyncset.done $0x0  }
0xa2: {  	[sflag:s23] =	ssyncadd.s32 s6;
	_ =	sdelay $0x1  }
0xa3: {  	s24 =	simm.s32 $0x1B8B  }
0xa4: {  	_ =	swait.ge [sflag:s24], $0x1  }
0xa5: {  	[sflag:s24] =	ssyncset.done $0x0  }
0xa6: {  	s25 =	simm.s32 $0x1B8E;
	[sflag:s24] =	ssyncadd.s32 $0xFFFFFFFF  }
0xa7: {  	s26 =	simm.s32 $execute0_lowered;
	[smem:$0x3FD2] =	sst s25  }
0xa8: {  	s6 =	sshll.u32 s26, $0x1;
	_ =	strace $0x80000046;
	[dreg:$0x1] =	wrdreg $0xFFFFFFFF  }
0xa9: {  	s28 =	simm.s32 $_size_execute0_lowered;
	s5 =	sadd.s32 s5, s6;
	[dreg:$0x0] =	wrdreg $0x0  }
0xaa: {  	s6 =	sshll.u32 s28, $0x1;
	[dreg:$0x2] =	wrdreg s5  }
0xab: {  	[dreg:$0x3] =	wrdreg s6  }
0xac: {  	[dreg:$0x4] =	wrdreg $0xC0  }
0xad: {  	_ =	task [dreg:s9], $0x5FFFF  }
0xae: {  	[dreg:$0x1] =	wrdreg $0xFFFFFFFF  }
0xaf: {  	[dreg:$0x0] =	wrdreg $0x60  }
0xb0: {  	[dreg:$0x2] =	wrdreg s2  }
0xb1: {  	[dreg:$0x3] =	wrdreg s19  }
0xb2: {  	[dreg:$0x4] =	wrdreg s4  }
0xb3: {  	[dreg:$0x5] =	wrdreg $0x9  }
0xb4: {  	_ =	task.clear_ibuf [dreg:s9], $0x6FFFF;
	_ =	strace $0x90000046  }
0xb5: {  	s29 =	simm.s32 $0x9;
	_ =	strace $0x80000048  }
0xb6: {  	_ =	swait.ge [sflag:s29], $0x1  }
0xb7: {  	[sflag:s29] =	ssyncadd.s32 $0xFFFFFFFF  }
0xb8: {  	_ =	strace $0x90000048  }
0xb9: {  	_ =	sfence  }
0xba: {  	s30 =	sld [smem:$0x0];
	_ =	sdelay $0x2  }
0xbb: {  	s31 =	sshll.u32 s1, $0xD;
	s1 =	sshrl.u32 s1, $0x2  }
0xbc: {  	s3 =	sand.u32 $0x4000, s31;
	s1 =	sadd.s32 s1, s30  }
0xbd: {  	s0 =	sor.u32 s3, s0;
	s1 =	sshll.u32 s1, $0x11  }
0xbe: {  	s0 =	sor.u32 s1, s0  }
0xbf: {  	s0 =	sadd.s32 $0x8F2B, s0  }
0xc0: {  	[sflag:s0] =	ssyncadd.remote.s32 $0x1  }
0xc1: {  	_ =	sfence.sel $0xFFFF  }
0xc2: {  	[dreg:$0x0] =	wrdreg $0xFFFFFFFF;
	(pc) =	sbr.abs _section_cstart, $3  }
0xc3: {  	[dreg:$0x1] =	wrdreg $0xFFFFFFFF  }
0xc4: {  	_ =	task.clear_ibuf [dreg:s9], $0x2FFFF;
	_ =	strace $0x9FFFFFFF  }
0xc5: {  	(tm) =	ssettm $0x7FFFFFFF  }
tec
execute0_lowered:
.L_overlay_start_1:
0x0: {  	(tag) =	ssettag $0x1  }
0x1: {  	s0 =	rddreg [dreg:$0x0]  }
0x2: {  	s1 =	rddreg [dreg:$0x1]  }
0x3: {  	s3 =	simm.s32 $0x0;
	s2 =	srdreg.scid;
	s8 =	stileid.u32  }
0x4: {  	s31 =	simm.s32 $0x9C00;
	s28 =	simm.s32 $0x11C00;
	s30 =	simm.s32 $0x5  }
0x5: {  	s10 =	simm.s32 $0x0;
	[smem:$0x7FF] =	sst s3;
	s2 =	sand.u32 $0x1, s2  }
0x6: {  	s6 =	sshll.u32 s8, $0x8;
	s13 =	sshll.u32 s8, $0xF;
	_ =	strace $0x80000047  }
0x7: {  	s4 =	ssub.s32 $0x2, s2;
	s7 =	sshll.u32 s2, $0x7;
	s2 =	sshll.u32 s2, $0xE  }
0x8: {  	s5 =	sshrl.u32 s4, $0x1;
	s6 =	sor.u32 s7, s6;
	s15 =	sor.u32 s2, s13  }
0x9: {  	s7 =	simm.s32 $0x6;
	s4 =	ssub.s32 s4, s5;
	s14 =	sadd.s32 s0, s6  }
0xa: {  	s18 =	sor.u32 $0x100000, s15;
	s19 =	sor.u32 $0x82000, s15;
	s20 =	sor.u32 $0x80000, s15  }
0xb: {  	s22 =	sor.u32 $0x2000, s15;
	s23 =	sor.u32 $0x202000, s15;
	s24 =	sor.u32 $0x200000, s15  }
0xc: {  	s25 =	sshrl.u32 s15, $0x3;
	s26 =	sor.u32 $0x182000, s15;
	s29 =	sor.u32 $0x180000, s15  }
0xd: {  	s0 =	sor.u32 $0x102000, s15;
	s6 =	simm.s32 $0x13C00;
	s5 =	simm.s32 $0x7  }
0xe: {  	[dreg:$0x4] =	wrdreg s14;
	s16 =	sadd.s32 $0x6000, s14;
	s17 =	smax.u32 s4, $0x1  }
0xf: {  	s2 =	sshrl.u32 s18, $0x3;
	s21 =	sshrl.u32 s20, $0x3;
	[dreg:$0xb] =	wrdreg s25  }
0x10: {  	s14 =	sshrl.u32 s24, $0x3;
	s15 =	sshrl.u32 s26, $0x3;
	s4 =	simm.s32 $0xBC00  }
0x11: {  	s18 =	simm.s32 $0xDC00;
	s20 =	simm.s32 $0xFC00;
	[dreg:$0x5] =	wrdreg s16  }
0x12: {  	s25 =	simm.s32 $0x4;
	s24 =	simm.s32 $0xA;
	[dreg:$0x6] =	wrdreg s17  }
0x13: {  	s26 =	simm.s32 $0xF;
	[dreg:$0x7] =	wrdreg s2;
	s2 =	sshrl.u32 s19, $0x3  }
.Ltmp0:
0x14: {  	[dreg:$0x9] =	wrdreg s21;
	s16 =	sshrl.u32 s29, $0x3;
	(pc) =	sbr.rel .LBB2_1-.Ltmp0, $4  }
0x15: {  	s17 =	sshrl.u32 s0, $0x3;
	s0 =	simm.s32 $0x1;
	s19 =	simm.s32 $0x3  }
0x16: {  	s21 =	simm.s32 $0x8;
	[dreg:$0x8] =	wrdreg s2;
	s2 =	sshrl.u32 s22, $0x3  }
0x17: {  	s22 =	simm.s32 $0x40;
	[dreg:$0xa] =	wrdreg s2;
	s2 =	sshrl.u32 s23, $0x3  }
0x18: {  	s23 =	simm.s32 $0x9;
	[dreg:$0xc] =	wrdreg s2;
	s2 =	simm.s32 $0x2  }
.LBB2_4:
0x19: {  	s8 =	simm.s32 $0xB  }
0x1a: {  	_ =	swait.ge [sflag:s8], $0x2000  }
0x1b: {  	[sflag:s8] =	ssyncset.done $0x0  }
0x1c: {  	s13 =	simm.s32 $0xC;
	[sflag:s8] =	ssyncadd.s32 $0xFFFFE000  }
0x1d: {  	_ =	swait.ge [sflag:s13], $0x2000  }
0x1e: {  	[sflag:s13] =	ssyncset.done $0x0  }
0x1f: {  	s29 =	simm.s32 $0xD;
	[sflag:s13] =	ssyncadd.s32 $0xFFFFE000  }
0x20: {  	_ =	swait.ge [sflag:s29], $0x2000  }
0x21: {  	[sflag:s29] =	ssyncset.done $0x0  }
0x22: {  	s9 =	simm.s32 $0xE;
	[sflag:s29] =	ssyncadd.s32 $0xFFFFE000  }
0x23: {  	_ =	swait.ge [sflag:s9], $0x2000  }
0x24: {  	[sflag:s9] =	ssyncset.done $0x0  }
0x25: {  	[sflag:s9] =	ssyncadd.s32 $0xFFFFE000  }
0x26: {  	_ =	swait.ge [sflag:s26], $0x2000  }
0x27: {  	[sflag:s26] =	ssyncset.done $0x0  }
0x28: {  	s10 =	simm.s32 $0x10;
	[sflag:s26] =	ssyncadd.s32 $0xFFFFE000  }
0x29: {  	_ =	swait.ge [sflag:s10], $0x2000  }
0x2a: {  	[sflag:s10] =	ssyncset.done $0x0  }
0x2b: {  	s11 =	simm.s32 $0x11;
	[sflag:s10] =	ssyncadd.s32 $0xFFFFE000  }
0x2c: {  	_ =	swait.ge [sflag:s11], $0x2000  }
0x2d: {  	[sflag:s11] =	ssyncset.done $0x0  }
0x2e: {  	s12 =	simm.s32 $0x12;
	[sflag:s11] =	ssyncadd.s32 $0xFFFFE000  }
0x2f: {  	_ =	swait.ge [sflag:s12], $0x2000  }
0x30: {  	[sflag:s12] =	ssyncset.done $0x0  }
0x31: {  	s13 =	simm.s32 $0x13;
	[sflag:s12] =	ssyncadd.s32 $0xFFFFE000  }
0x32: {  	_ =	swait.ge [sflag:s13], $0x2000  }
0x33: {  	[sflag:s13] =	ssyncset.done $0x0  }
0x34: {  	s9 =	simm.s32 $0x14;
	[sflag:s13] =	ssyncadd.s32 $0xFFFFE000  }
0x35: {  	_ =	swait.ge [sflag:s9], $0x2000  }
0x36: {  	s10 =	rddreg [dreg:$0xd]  }
0x37: {  	s29 =	rddreg [dreg:$0x6];
	s10 =	sadd.s32 $0x1, s10  }
0x38: {  	p0 =	sne.s32 s10, s29  }
.Ltmp1:
0x39: {  	_ = 	snop;
	(pc) =	sbr.rel @!p0 .LBB2_5-.Ltmp1, $3  }
0x3a: {  	_ =	sdelay $0x1  }
0x3b: {  	[sflag:s9] =	ssyncset.done $0x0  }
0x3c: {  	[sflag:s9] =	ssyncadd.s32 $0xFFFFE000  }
.LBB2_1:
0x3d: {  	[dreg:$0xd] =	wrdreg s10  }
0x3e: {  	s8 =	rddreg [dreg:$0x4];
	s9 =	simm.s32 $0x400;
	s13 =	simm.s32 $0x8000  }
0x3f: {  	[tilespmem:s3], [sflag:$0x15] =	stream.strided.gather [hbm4b:s8+s9], $0x1800, s13, s9, $0x38;
	[tilespmem:$0x15C00] =	vst v63  }
0x40: {  	s10 =	simm.s32 $0x1800;
	s11 =	simm.s32 $0x15;
	s9 =	rddreg [dreg:$0x5]  }
0x41: {  	[tilespmem:s10], [sflag:$0x15] =	stream.linear.gather [hbm4b:s9+s3], $0x100, $0x38;
	[tilespmem:$0x15C00] =	vst v63  }
0x42: {  	_ =	swait.ge [sflag:s11], $0x1900  }
0x43: {  	[sflag:s11] =	ssyncset.done $0x0  }
0x44: {  	s12 =	simm.s32 $0x1C00;
	[sflag:s11] =	ssyncadd.s32 $0xFFFFE700  }
0x45: {  	[tilespmem:s12], [sflag:$0x1] =	stream.indirect.gather [hbm4b:s1+s22], $0x80, s3, s22, $0xb8;
	[tilespmem:$0x15C00] =	vst v63  }
0x46: {  	s13 =	simm.s32 $0x3C00  }
0x47: {  	[tilespmem:s13], [sflag:$0x2] =	stream.indirect.gather [hbm4b:s1+s22], $0x80, s22, s22, $0xb8;
	[tilespmem:$0x15C00] =	vst v63  }
0x48: {  	s9 =	simm.s32 $0x80;
	s10 =	simm.s32 $0x5C00  }
0x49: {  	[tilespmem:s10], [sflag:$0x3] =	stream.indirect.gather [hbm4b:s1+s22], $0x80, s9, s22, $0xb8;
	[tilespmem:$0x15C00] =	vst v63  }
0x4a: {  	s11 =	simm.s32 $0xC0;
	s12 =	simm.s32 $0x7C00  }
0x4b: {  	[tilespmem:s12], [sflag:$0x4] =	stream.indirect.gather [hbm4b:s1+s22], $0x80, s11, s22, $0xb8;
	[tilespmem:$0x15C00] =	vst v63  }
0x4c: {  	s8 =	simm.s32 $0x0;
	s29 =	rddreg [dreg:$0x2];
	s13 =	simm.s32 $0x100  }
0x4d: {  	[tilespmem:s31], [sflag:$0x5] =	stream.indirect.gather [hbm4b:s1+s22], $0x80, s13, s22, $0xb8;
	[tilespmem:$0x15C00] =	vst v63  }
.LBB2_2:
0x4e: {  	_ =	swait.ge [sflag:s0], $0x2000  }
0x4f: {  	s10 =	simm.s32 $0x1C00;
	[sflag:s0] =	ssyncset.done $0x0;
	s9 =	rddreg [dreg:$0xb]  }
0x50: {  	p0 =	seq.s32 s8, $0x0;
	[sflag:s0] =	ssyncadd.s32 $0xFFFFE000;
	s9 =	sadd.s32 s29, s9  }
0x51: {  	[hbm4b:s9+s3] =	stream.linear.scatter [tilespmem:s10], [sflag:$0xB], $0x2000, $0x38;
	[tilespmem:$0x15C00] =	vst v63  }
0x52: {  	s10 =	simm.s32 @!p0 $0x10  }
0x53: {  	_ =	swait.ge @!p0 [sflag:s10], $0x2000  }
0x54: {  	s9 =	sshra.s32 s8, $0x2;
	[sflag:s10] =	ssyncset.done @!p0 $0x0  }
0x55: {  	s12 =	sadd.s32 $0x140, s9;
	[sflag:s10] =	ssyncadd.s32 @!p0 $0xFFFFE000  }
0x56: {  	[tilespmem:s4], [sflag:$0x6] =	stream.indirect.gather [hbm4b:s1+s22], $0x80, s12, s22, $0xb8;
	[tilespmem:$0x15C00] =	vst v63  }
0x57: {  	_ =	swait.ge [sflag:s2], $0x2000  }
0x58: {  	[sflag:s2] =	ssyncset.done $0x0;
	s13 =	rddreg [dreg:$0xa]  }
0x59: {  	s11 =	simm.s32 $0x3C00;
	[sflag:s2] =	ssyncadd.s32 $0xFFFFE000;
	s10 =	sadd.s32 s29, s13  }
0x5a: {  	[hbm4b:s10+s3] =	stream.linear.scatter [tilespmem:s11], [sflag:$0xC], $0x2000, $0x38;
	[tilespmem:$0x15C00] =	vst v63  }
0x5b: {  	s10 =	simm.s32 @!p0 $0x11  }
0x5c: {  	_ =	swait.ge @!p0 [sflag:s10], $0x2000  }
0x5d: {  	[sflag:s10] =	ssyncset.done @!p0 $0x0  }
0x5e: {  	s11 =	sadd.s32 $0x180, s9;
	[sflag:s10] =	ssyncadd.s32 @!p0 $0xFFFFE000  }
0x5f: {  	[tilespmem:s18], [sflag:$0x7] =	stream.indirect.gather [hbm4b:s1+s22], $0x80, s11, s22, $0xb8;
	[tilespmem:$0x15C00] =	vst v63  }
0x60: {  	_ =	swait.ge [sflag:s19], $0x2000  }
0x61: {  	[sflag:s19] =	ssyncset.done $0x0;
	s12 =	rddreg [dreg:$0x9]  }
0x62: {  	s13 =	simm.s32 $0x5C00;
	[sflag:s19] =	ssyncadd.s32 $0xFFFFE000;
	s10 =	sadd.s32 s29, s12  }
0x63: {  	[hbm4b:s10+s3] =	stream.linear.scatter [tilespmem:s13], [sflag:$0xD], $0x2000, $0x38;
	[tilespmem:$0x15C00] =	vst v63  }
0x64: {  	s10 =	simm.s32 @!p0 $0x12  }
0x65: {  	_ =	swait.ge @!p0 [sflag:s10], $0x2000  }
0x66: {  	[sflag:s10] =	ssyncset.done @!p0 $0x0  }
0x67: {  	s11 =	sadd.s32 $0x1C0, s9;
	[sflag:s10] =	ssyncadd.s32 @!p0 $0xFFFFE000  }
0x68: {  	[tilespmem:s20], [sflag:$0x8] =	stream.indirect.gather [hbm4b:s1+s22], $0x80, s11, s22, $0xb8;
	[tilespmem:$0x15C00] =	vst v63  }
0x69: {  	_ =	swait.ge [sflag:s25], $0x2000  }
0x6a: {  	[sflag:s25] =	ssyncset.done $0x0;
	s12 =	rddreg [dreg:$0x8]  }
0x6b: {  	s13 =	simm.s32 $0x7C00;
	[sflag:s25] =	ssyncadd.s32 $0xFFFFE000;
	s10 =	sadd.s32 s29, s12  }
0x6c: {  	[hbm4b:s10+s3] =	stream.linear.scatter [tilespmem:s13], [sflag:$0xE], $0x2000, $0x38;
	[tilespmem:$0x15C00] =	vst v63  }
0x6d: {  	s10 =	simm.s32 @!p0 $0x13  }
0x6e: {  	_ =	swait.ge @!p0 [sflag:s10], $0x2000  }
0x6f: {  	[sflag:s10] =	ssyncset.done @!p0 $0x0  }
0x70: {  	s12 =	sadd.s32 $0x200, s9;
	[sflag:s10] =	ssyncadd.s32 @!p0 $0xFFFFE000  }
0x71: {  	[tilespmem:s28], [sflag:$0x9] =	stream.indirect.gather [hbm4b:s1+s22], $0x80, s12, s22, $0xb8;
	[tilespmem:$0x15C00] =	vst v63  }
0x72: {  	_ =	swait.ge [sflag:s30], $0x2000  }
0x73: {  	[sflag:s30] =	ssyncset.done $0x0;
	s13 =	rddreg [dreg:$0x7]  }
0x74: {  	[sflag:s30] =	ssyncadd.s32 $0xFFFFE000;
	s10 =	sadd.s32 s29, s13  }
0x75: {  	[hbm4b:s10+s3] =	stream.linear.scatter [tilespmem:s31], [sflag:$0xF], $0x2000, $0x38;
	[tilespmem:$0x15C00] =	vst v63  }
0x76: {  	s10 =	simm.s32 @!p0 $0x14  }
0x77: {  	_ =	swait.ge @!p0 [sflag:s10], $0x2000  }
0x78: {  	[sflag:s10] =	ssyncset.done @!p0 $0x0  }
0x79: {  	s11 =	sadd.s32 $0x240, s9;
	[sflag:s10] =	ssyncadd.s32 @!p0 $0xFFFFE000  }
0x7a: {  	[tilespmem:s6], [sflag:$0xA] =	stream.indirect.gather [hbm4b:s1+s22], $0x80, s11, s22, $0xb8;
	[tilespmem:$0x15C00] =	vst v63  }
0x7b: {  	_ =	swait.ge [sflag:s7], $0x2000  }
0x7c: {  	p0 =	seq.s32 s8, $0x5A00;
	[sflag:s7] =	ssyncset.done $0x0  }
0x7d: {  	s12 =	sadd.s32 s29, s17;
	s10 =	simm.s32 @!p0 $0xB;
	[sflag:s7] =	ssyncadd.s32 $0xFFFFE000  }
0x7e: {  	[hbm4b:s12+s3] =	stream.linear.scatter [tilespmem:s4], [sflag:$0x10], $0x2000, $0x38;
	[tilespmem:$0x15C00] =	vst v63  }
0x7f: {  	_ =	swait.ge @!p0 [sflag:s10], $0x2000  }
0x80: {  	[sflag:s10] =	ssyncset.done @!p0 $0x0  }
0x81: {  	[sflag:s10] =	ssyncadd.s32 @!p0 $0xFFFFE000;
	s10 =	sshra.s32 @!p0 s8, $0x2  }
0x82: {  	s13 =	simm.s32 @!p0 $0x1C00;
	s12 =	simm.s32 @!p0 $0x40;
	s11 =	sadd.s32 @!p0 $0x280, s10  }
0x83: {  	[tilespmem:s13], [sflag:$0x1] =	stream.indirect.gather @!p0 [hbm4b:s1+s12], $0x80, s11, s12, $0xb8;
	[tilespmem:$0x15C00] =	vst v63  }
0x84: {  	_ =	swait.ge [sflag:s5], $0x2000  }
0x85: {  	[sflag:s5] =	ssyncset.done $0x0  }
0x86: {  	s13 =	sadd.s32 s29, s16;
	s11 =	simm.s32 @!p0 $0xC;
	[sflag:s5] =	ssyncadd.s32 $0xFFFFE000  }
0x87: {  	[hbm4b:s13+s3] =	stream.linear.scatter [tilespmem:s18], [sflag:$0x11], $0x2000, $0x38;
	[tilespmem:$0x15C00] =	vst v63  }
0x88: {  	_ =	swait.ge @!p0 [sflag:s11], $0x2000  }
0x89: {  	[sflag:s11] =	ssyncset.done @!p0 $0x0  }
0x8a: {  	s13 =	simm.s32 @!p0 $0x3C00;
	[sflag:s11] =	ssyncadd.s32 @!p0 $0xFFFFE000;
	s11 =	sadd.s32 @!p0 $0x2C0, s10  }
0x8b: {  	[tilespmem:s13], [sflag:$0x2] =	stream.indirect.gather @!p0 [hbm4b:s1+s12], $0x80, s11, s12, $0xb8;
	[tilespmem:$0x15C00] =	vst v63  }
0x8c: {  	_ =	swait.ge [sflag:s21], $0x2000  }
0x8d: {  	[sflag:s21] =	ssyncset.done $0x0  }
0x8e: {  	s13 =	sadd.s32 s29, s15;
	s11 =	simm.s32 @!p0 $0xD;
	[sflag:s21] =	ssyncadd.s32 $0xFFFFE000  }
0x8f: {  	[hbm4b:s13+s3] =	stream.linear.scatter [tilespmem:s20], [sflag:$0x12], $0x2000, $0x38;
	[tilespmem:$0x15C00] =	vst v63  }
0x90: {  	_ =	swait.ge @!p0 [sflag:s11], $0x2000  }
0x91: {  	[sflag:s11] =	ssyncset.done @!p0 $0x0  }
0x92: {  	s13 =	simm.s32 @!p0 $0x5C00;
	[sflag:s11] =	ssyncadd.s32 @!p0 $0xFFFFE000;
	s11 =	sadd.s32 @!p0 $0x300, s10  }
0x93: {  	[tilespmem:s13], [sflag:$0x3] =	stream.indirect.gather @!p0 [hbm4b:s1+s12], $0x80, s11, s12, $0xb8;
	[tilespmem:$0x15C00] =	vst v63  }
0x94: {  	_ =	swait.ge [sflag:s23], $0x2000  }
0x95: {  	[sflag:s23] =	ssyncset.done $0x0  }
0x96: {  	s13 =	sadd.s32 s29, s14;
	s11 =	simm.s32 @!p0 $0xE;
	[sflag:s23] =	ssyncadd.s32 $0xFFFFE000  }
0x97: {  	[hbm4b:s13+s3] =	stream.linear.scatter [tilespmem:s28], [sflag:$0x13], $0x2000, $0x38;
	[tilespmem:$0x15C00] =	vst v63  }
0x98: {  	_ =	swait.ge @!p0 [sflag:s11], $0x2000  }
0x99: {  	[sflag:s11] =	ssyncset.done @!p0 $0x0  }
0x9a: {  	s10 =	sadd.s32 @!p0 $0x340, s10;
	[sflag:s11] =	ssyncadd.s32 @!p0 $0xFFFFE000;
	s11 =	simm.s32 @!p0 $0x7C00  }
0x9b: {  	[tilespmem:s11], [sflag:$0x4] =	stream.indirect.gather @!p0 [hbm4b:s1+s12], $0x80, s10, s12, $0xb8;
	[tilespmem:$0x15C00] =	vst v63  }
.Ltmp2:
0x9c: {  	_ = 	snop;
	(pc) =	sbr.rel @p0 .LBB2_4-.Ltmp2, $4  }
0x9d: {  	_ =	swait.ge [sflag:s24], $0x2000  }
0x9e: {  	[sflag:s24] =	ssyncset.done $0x0;
	s13 =	rddreg [dreg:$0xc]  }
0x9f: {  	[sflag:s24] =	ssyncadd.s32 $0xFFFFE000;
	s10 =	sadd.s32 s29, s13  }
0xa0: {  	[hbm4b:s10+s3] =	stream.linear.scatter [tilespmem:s6], [sflag:$0x14], $0x2000, $0x38;
	[tilespmem:$0x15C00] =	vst v63  }
.Ltmp3:
0xa1: {  	(pc) =	sbr.rel .LBB2_2-.Ltmp3, $4  }
0xa2: {  	_ =	swait.ge [sflag:s26], $0x2000  }
0xa3: {  	s9 =	sadd.s32 $0x380, s9;
	[sflag:s26] =	ssyncset.done $0x0  }
0xa4: {  	s8 =	sadd.s32 $0xA00, s8;
	s29 =	sadd.s32 $0x50000, s29;
	[sflag:s26] =	ssyncadd.s32 $0xFFFFE000  }
0xa5: {  	[tilespmem:s31], [sflag:$0x5] =	stream.indirect.gather [hbm4b:s1+s22], $0x80, s9, s22, $0xb8;
	[tilespmem:$0x15C00] =	vst v63  }
.LBB2_5:
0xa6: {  	_ =	sfence.sel $0x180000  }
0xa7: {  	[bflag:$0x0] =	sbarrier.arrive $0xFFFF  }
0xa8: {  	_ =	strace $0x90000047  }
0xa9: {  	s0 =	stileid.u32;
	[bflag:$0x2] =	sbarrier.arrive $0xFFFF  }
0xaa: {  	p0 =	sne.s32 s0, $0x0;
	s0 =	rddreg [dreg:$0x3]  }
0xab: {  	s0 =	sadd.s32 @!p0 $0x100000, s0  }
0xac: {  	[sflag:s0] =	ssyncadd.tile.s32 @!p0 $0x1;
	_ =	shalt  }
.Lfunc_end2:
_tile_overlayer_lowered:
.L_overlay_start_2:
0xad: {  	(tag) =	ssettag $0x2  }
0xae: {  	s0 =	rddreg [dreg:$0x0];
	s2 =	stileid.u32  }
0xaf: {  	s1 =	rddreg [dreg:$0x1];
	p0 =	sne.s32 s2, $0x0  }
0xb0: {  	s3 =	rddreg [dreg:$0x2];
	[bflag:$0x3] =	sbarrier.arrive $0xFFFF;
	s2 =	simm.s32 @!p0 $0x1C15  }
0xb1: {  	[timem:s3], [sflag:s2] =	dma.local @!p0 [hbm:s0], s1  }
0xb2: {  	s0 =	simm.s32 @!p0 $0x15  }
0xb3: {  	_ =	swait.ge @!p0 [sflag:s0], s1  }
0xb4: {  	s1 =	ssub.s32 @!p0 $0x0, s1;
	[sflag:s0] =	ssyncset.done @!p0 $0x0  }
0xb5: {  	[sflag:s0] =	ssyncadd.s32 @!p0 s1  }
0xb6: {  	[bflag:$0x3] =	sbarrier.arrive $0xFFFF  }
0xb7: {  	_ =	shalt  }

</sc_bundles>
